<compile_context>
chip_gen: v7x
topology: tpu7x:2x2x1
jax: 0.10.2.dev20260603
libtpu: 0.0.44.dev20260713+nightly
codegen_flags: <defaults>
</compile_context>

<pallas_src>
import functools

import jax
import jax.numpy as jnp
from jax import lax
from jax.experimental import pallas as pl
from jax.experimental.pallas import tpu as pltpu
from jax.experimental.pallas import tpu_sc as plsc

N = 10000
E = 320000
F = 128
G = 128

NPAD = 10240
TILES = 32
CK = 128
CPT = 80
EPAD = TILES * CPT * CK
RPT = NPAD // 16

B = 2000
NB = N // B

_mesh = plsc.VectorSubcoreMesh(core_axis_name="c", subcore_axis_name="s")



@functools.partial(
    pl.kernel,
    out_type=jax.ShapeDtypeStruct((2, NPAD, F), jnp.float32),
    mesh=_mesh,
    scratch_types=[
        pltpu.VMEM((CPT, CK), jnp.int32),
        pltpu.VMEM((CK, F), jnp.float32),
        pltpu.MemorySpace.VMEM_SHARED((NPAD, F), jnp.float32),
    ],
)
def _deg_kernel(colp_hbm, vones_hbm, zeros_hbm, out_hbm, colv, vones, dacc):
    c = lax.axis_index("c")
    s = lax.axis_index("s")
    wid = c * 16 + s
    pltpu.sync_copy(zeros_hbm, dacc.at[pl.ds(s * RPT, RPT)])
    pltpu.sync_copy(colp_hbm.at[wid], colv)
    pltpu.sync_copy(vones_hbm, vones)
    plsc.subcore_barrier()

    def body(j, carry):
        pltpu.sync_copy(vones, dacc.at[colv.at[j]], add=True)
        return carry

    lax.fori_loop(0, CPT, body, 0)
    plsc.subcore_barrier()
    pltpu.sync_copy(dacc.at[pl.ds(s * RPT, RPT)],
                    out_hbm.at[c].at[pl.ds(s * RPT, RPT)])


QTR = 40
CPT0 = 80
CPT1 = 80
NCHUNKS = 16 * (CPT0 + CPT1)


@functools.partial(
    pl.kernel,
    out_type=jax.ShapeDtypeStruct((2, NPAD, F), jnp.float32),
    mesh=_mesh,
    scratch_types=[
        pltpu.VMEM((QTR, CK), jnp.int32),
        pltpu.VMEM((QTR, CK), jnp.int32),
        pltpu.VMEM((CK, F), jnp.float32),
        pltpu.VMEM((CK, F), jnp.float32),
        pltpu.MemorySpace.VMEM_SHARED((NPAD, F), jnp.float32),
        pltpu.SemaphoreType.DMA,
        pltpu.SemaphoreType.DMA,
    ],
)
def _agg_kernel(g_hbm, rowp_hbm, colp_hbm, zeros_hbm, out_hbm,
                rowv, colv, bufa, bufb, acc, sema, semb):
    c = lax.axis_index("c")
    s = lax.axis_index("s")
    base = jnp.where(c == 0, s * CPT0, 16 * CPT0 + s * CPT1)
    nph = jnp.where(c == 0, CPT0 // QTR, CPT1 // QTR)
    pltpu.sync_copy(zeros_hbm, acc.at[pl.ds(s * RPT, RPT)])
    plsc.subcore_barrier()

    def wait_g(sem):
        pltpu.make_async_copy(g_hbm.at[pl.ds(0, CK)], bufa, sem).wait()

    for q in range(max(CPT0, CPT1) // QTR):
        @pl.when(q < nph)
        def _():
            off = base + q * QTR
            pltpu.sync_copy(rowp_hbm.at[pl.ds(off, QTR)], rowv)
            pltpu.sync_copy(colp_hbm.at[pl.ds(off, QTR)], colv)

            pltpu.async_copy(g_hbm.at[rowv.at[0]], bufa, sema)

            def body(i, carry):
                ja = 2 * i
                jb = 2 * i + 1
                pltpu.async_copy(g_hbm.at[rowv.at[jb]], bufb, semb)
                wait_g(sema)
                pltpu.sync_copy(bufa, acc.at[colv.at[ja]], add=True)

                @pl.when(i < QTR // 2 - 1)
                def _():
                    pltpu.async_copy(g_hbm.at[rowv.at[ja + 2]], bufa, sema)

                wait_g(semb)
                pltpu.sync_copy(bufb, acc.at[colv.at[jb]], add=True)
                return carry

            lax.fori_loop(0, QTR // 2, body, 0)

    plsc.subcore_barrier()
    pltpu.sync_copy(acc.at[pl.ds(s * RPT, RPT)],
                    out_hbm.at[c].at[pl.ds(s * RPT, RPT)])



def _dis_of(dp_ref):
    deg = dp_ref[0, :, 0:1] + dp_ref[1, :, 0:1] + 1.0
    return lax.rsqrt(deg)


def _tc1_body(x_ref, w1_ref, w2b_ref, root_ref, dp_ref, g1_ref, dis_ref,
              qg_ref, qacc):
    i = pl.program_id(0)
    dis = _dis_of(dp_ref)
    dis_ref[...] = dis
    xb = x_ref[...]
    h1 = jnp.dot(xb, w1_ref[...], preferred_element_type=jnp.float32)
    g1_ref[...] = h1 * dis
    ids = i * B + lax.broadcasted_iota(jnp.int32, (B, 1), 0)
    ohr = (ids == root_ref[...]).astype(jnp.float32)
    relu_x = jnp.maximum(xb, 0.0)
    contrib = lax.dot_general(ohr, relu_x, (((0,), (0,)), ((), ())),
                              preferred_element_type=jnp.float32)

    @pl.when(i == 0)
    def _():
        qacc[...] = contrib

    @pl.when(i > 0)
    def _():
        qacc[...] = qacc[...] + contrib

    qg_ref[...] = jnp.dot(qacc[...], w2b_ref[...],
                          preferred_element_type=jnp.float32)


def _tc2_body(p_ref, g1_ref, dis_in, b1_ref, qg_ref, batch_ref, w2a_ref,
              c1_ref, g2_ref):
    dis = dis_in[...]
    ssum = p_ref[0] + p_ref[1] + g1_ref[...]
    c1 = dis * ssum + b1_ref[...]
    c1_ref[...] = c1
    z = jnp.maximum(c1, 0.0)
    ohb = (batch_ref[...] == lax.broadcasted_iota(jnp.int32, (1, G), 1)
           ).astype(jnp.float32)
    h2 = (jnp.dot(z, w2a_ref[...], preferred_element_type=jnp.float32)
          + jnp.dot(ohb, qg_ref[...], preferred_element_type=jnp.float32))
    g2_ref[...] = h2 * dis


def _tc3_body(q_ref, g2_ref, dis_in, b2_ref, batch_ref, root_ref, c1_ref,
              out_ref, sums, cnt, r2acc):
    i = pl.program_id(0)
    dis = dis_in[...]
    c2 = dis * (q_ref[0] + q_ref[1] + g2_ref[...]) + b2_ref[...]
    r = jnp.maximum(c2, 0.0)
    ohb = (batch_ref[...] == lax.broadcasted_iota(jnp.int32, (1, G), 1)
           ).astype(jnp.float32)
    s_contrib = lax.dot_general(ohb, r, (((0,), (0,)), ((), ())),
                                preferred_element_type=jnp.float32)
    ones = jnp.ones((B, 1), jnp.float32)
    c_contrib = lax.dot_general(ohb, ones, (((0,), (0,)), ((), ())),
                                preferred_element_type=jnp.float32)
    ids = i * B + lax.broadcasted_iota(jnp.int32, (B, 1), 0)
    ohr = (ids == root_ref[...]).astype(jnp.float32)
    r2_contrib = lax.dot_general(ohr, c1_ref[...], (((0,), (0,)), ((), ())),
                                 preferred_element_type=jnp.float32)

    @pl.when(i == 0)
    def _():
        sums[...] = s_contrib
        cnt[...] = c_contrib
        r2acc[...] = r2_contrib

    @pl.when(i > 0)
    def _():
        sums[...] = sums[...] + s_contrib
        cnt[...] = cnt[...] + c_contrib
        r2acc[...] = r2acc[...] + r2_contrib

    counts = cnt[...]
    o1 = sums[...] / jnp.maximum(counts, 1.0)
    o2 = jnp.where(counts > 0.0, r2acc[...], 0.0)
    out_ref[...] = jnp.concatenate([o1, o2], axis=1)


def _tc1(x, W1, W2b, root2d, dp):
    return pl.pallas_call(
        _tc1_body,
        grid=(NB,),
        in_specs=[
            pl.BlockSpec((B, F), lambda i: (i, 0)),
            pl.BlockSpec((F, F), lambda i: (0, 0)),
            pl.BlockSpec((F, F), lambda i: (0, 0)),
            pl.BlockSpec((1, G), lambda i: (0, 0)),
            pl.BlockSpec((2, B, F), lambda i: (0, i, 0)),
        ],
        out_specs=[
            pl.BlockSpec((B, F), lambda i: (i, 0)),
            pl.BlockSpec((B, 1), lambda i: (i, 0)),
            pl.BlockSpec((G, F), lambda i: (0, 0)),
        ],
        out_shape=[
            jax.ShapeDtypeStruct((N, F), jnp.float32),
            jax.ShapeDtypeStruct((N, 1), jnp.float32),
            jax.ShapeDtypeStruct((G, F), jnp.float32),
        ],
        scratch_shapes=[pltpu.VMEM((G, F), jnp.float32)],
    )(x, W1, W2b, root2d, dp)


def _tc2(p, g1, disb, b1_2d, qg, batch2d, W2a):
    return pl.pallas_call(
        _tc2_body,
        grid=(NB,),
        in_specs=[
            pl.BlockSpec((2, B, F), lambda i: (0, i, 0)),
            pl.BlockSpec((B, F), lambda i: (i, 0)),
            pl.BlockSpec((B, 1), lambda i: (i, 0)),
            pl.BlockSpec((1, F), lambda i: (0, 0)),
            pl.BlockSpec((G, F), lambda i: (0, 0)),
            pl.BlockSpec((B, 1), lambda i: (i, 0)),
            pl.BlockSpec((F, F), lambda i: (0, 0)),
        ],
        out_specs=[
            pl.BlockSpec((B, F), lambda i: (i, 0)),
            pl.BlockSpec((B, F), lambda i: (i, 0)),
        ],
        out_shape=[
            jax.ShapeDtypeStruct((N, F), jnp.float32),
            jax.ShapeDtypeStruct((N, F), jnp.float32),
        ],
    )(p, g1, disb, b1_2d, qg, batch2d, W2a)


def _tc3(q, g2, disb, b2_2d, batch2d, root2d, c1):
    return pl.pallas_call(
        _tc3_body,
        grid=(NB,),
        in_specs=[
            pl.BlockSpec((2, B, F), lambda i: (0, i, 0)),
            pl.BlockSpec((B, F), lambda i: (i, 0)),
            pl.BlockSpec((B, 1), lambda i: (i, 0)),
            pl.BlockSpec((1, F), lambda i: (0, 0)),
            pl.BlockSpec((B, 1), lambda i: (i, 0)),
            pl.BlockSpec((1, G), lambda i: (0, 0)),
            pl.BlockSpec((B, F), lambda i: (i, 0)),
        ],
        out_specs=pl.BlockSpec((G, 2 * F), lambda i: (0, 0)),
        out_shape=jax.ShapeDtypeStruct((G, 2 * F), jnp.float32),
        scratch_shapes=[
            pltpu.VMEM((G, F), jnp.float32),
            pltpu.VMEM((G, 1), jnp.float32),
            pltpu.VMEM((G, F), jnp.float32),
        ],
    )(q, g2, disb, b2_2d, batch2d, root2d, c1)



@jax.jit
def kernel(x, edge_index, batch, root_index, W1, b1, W2, b2):
    row = edge_index[0].astype(jnp.int32)
    col = edge_index[1].astype(jnp.int32)
    pad = EPAD - E
    lane = jnp.arange(CK, dtype=jnp.int32)
    padrow = jnp.tile(lane * 77, pad // CK)
    padcol = jnp.tile(N + lane, pad // CK)
    rowp = jnp.concatenate([row, padrow])
    colp = jnp.concatenate([col, padcol])
    rowp = rowp.reshape(NCHUNKS, CK)
    colp = colp.reshape(NCHUNKS, CK)
    colp_deg = colp.reshape(TILES, CPT, CK)

    vones = jnp.zeros((CK, F), jnp.float32).at[:, 0].set(1.0)
    zerosF = jnp.zeros((RPT, F), jnp.float32)

    root2d = root_index.astype(jnp.int32).reshape(1, G)
    batch2d = batch.astype(jnp.int32).reshape(N, 1)
    b1_2d = b1.reshape(1, F)
    b2_2d = b2.reshape(1, F)
    W2a = W2[:F]
    W2b = W2[F:]

    dp = _deg_kernel(colp_deg, vones, zerosF)
    g1, disb, qg = _tc1(x, W1, W2b, root2d, dp)
    p1 = _agg_kernel(g1, rowp, colp, zerosF)
    c1, g2 = _tc2(p1, g1, disb, b1_2d, qg, batch2d, W2a)
    p2 = _agg_kernel(g2, rowp, colp, zerosF)
    out = _tc3(p2, g2, disb, b2_2d, batch2d, root2d, c1)
    return out

# --- scband reference (transcript-rebuilt; emitter-appended) ---
"""Pipeline reference for scband-tdrumor-gcn-5480378270219 (READ-ONLY COPY).

The authoritative reference and input builder live on the scoring server;
editing this copy changes nothing except your own understanding.
"""

import jax, jax.numpy as jnp
import numpy as np

N = 10000
E = 320000
F_IN = 128
HID = 128
OUT = 128
G = 128


def gcn_conv(x, edge_index, W, b, num_nodes):
    # PyG GCNConv: linear transform, add self-loops, symmetric normalization, scatter-add, bias
    h = x @ W
    row = edge_index[0]
    col = edge_index[1]
    loop = jnp.arange(num_nodes, dtype=row.dtype)
    row = jnp.concatenate([row, loop])
    col = jnp.concatenate([col, loop])
    deg = jnp.zeros((num_nodes,), dtype=h.dtype).at[col].add(1.0)
    deg_inv_sqrt = jnp.where(deg > 0, deg ** -0.5, 0.0)
    norm = deg_inv_sqrt[row] * deg_inv_sqrt[col]
    msg = h[row] * norm[:, None]
    out = jnp.zeros_like(h).at[col].add(msg)
    return out + b


def setup_inputs(seed: int = 0) -> dict:
    key = jax.random.key(seed)
    ks = jax.random.split(key, 8)
    x = jax.random.normal(ks[0], (N, F_IN), dtype=jnp.float32)
    edge_index = jax.random.randint(ks[1], (2, E), 0, N)
    batch = jnp.sort(jax.random.randint(ks[2], (N,), 0, G))
    root_index = jax.random.randint(ks[3], (G,), 0, N)
    W1 = jax.random.normal(ks[4], (F_IN, HID), dtype=jnp.float32) * 0.05
    b1 = jnp.zeros((HID,), dtype=jnp.float32)
    W2 = jax.random.normal(ks[5], (HID + F_IN, OUT), dtype=jnp.float32) * 0.05
    b2 = jnp.zeros((OUT,), dtype=jnp.float32)
    return {"x": x, "edge_index": edge_index, "batch": batch, "root_index": root_index,
            "W1": W1, "b1": b1, "W2": W2, "b2": b2}


def reference(x, edge_index, batch, root_index, W1, b1, W2, b2):
    x1 = x
    h = gcn_conv(x, edge_index, W1, b1, N)
    x2 = h
    # per-batch root feature broadcast: root_extend[i] = x1[root_index[batch[i]]]
    root_extend = x1[root_index[batch]]
    h = jnp.concatenate([h, root_extend], axis=1)
    h = jax.nn.relu(h)
    # dropout is identity in eval mode
    h = gcn_conv(h, edge_index, W2, b2, N)
    h = jax.nn.relu(h)
    root_extend2 = x2[root_index[batch]]
    h = jnp.concatenate([h, root_extend2], axis=1)
    # scatter_mean over batch
    sums = jax.ops.segment_sum(h, batch, num_segments=G)
    counts = jax.ops.segment_sum(jnp.ones((N,), dtype=h.dtype), batch, num_segments=G)
    out = sums / jnp.clip(counts, 1.0)[:, None]
    return out

if __name__ == "__main__":
    import jax
    _d = setup_inputs()
    print(jax.jit(kernel)(*tuple(_d.values())))

</pallas_src>

<mosaic_0001>
#map = affine_map<(d0, d1) -> (0, 0, 0)>
#map1 = affine_map<(d0, d1) -> (0, 0)>
module attributes {stable_mosaic.version = 14 : i64} {
  func.func @_deg_kernel(%arg0: i32, %arg1: i32, %arg2: memref<32x80x128xi32, #tpu.memory_space<hbm>>, %arg3: memref<128x128xf32, #tpu.memory_space<hbm>>, %arg4: memref<640x128xf32, #tpu.memory_space<hbm>>, %arg5: memref<2x10240x128xf32, #tpu.memory_space<hbm>>, %arg6: memref<80x128xi32, #tpu.memory_space<vmem>>, %arg7: memref<128x128xf32, #tpu.memory_space<vmem>>, %arg8: memref<10240x128xf32, #tpu.memory_space<vmem_shared>>) attributes {dimension_semantics = [#tpu.dimension_semantics<core_parallel>, #tpu.dimension_semantics<subcore_parallel>], iteration_bounds = array<i64: 2, 16>, scalar_prefetch = 0 : i64, scratch_operands = 3 : i64, tpu.core_type = #tpu.core_type<sc_vector_subcore>, window_params = [{transform_indices = #map}, {transform_indices = #map1}, {transform_indices = #map1}, {transform_indices = #map}]} {
    %mul3A = arith.constant 16 : i32
    %mul3A_0 = arith.muli %arg0, %mul3A : i32
    %add3A = arith.addi %mul3A_0, %arg1 : i32
    %mul3A_1 = arith.constant 640 : i32
    %mul3A_2 = arith.muli %arg1, %mul3A_1 : i32
    "tpu.region"() ({
      %run_scoped3A = tpu.sem_alloc : memref<!tpu.dma_semaphore, #tpu.memory_space<semaphore_mem>>
      %dma_start3A = arith.constant 0 : i32
      %dma_start3A_13 = tpu.memref_slice %arg8[%mul3A_2, %dma_start3A] : memref<10240x128xf32, #tpu.memory_space<vmem_shared>> -> memref<640x128xf32, #tpu.memory_space<vmem_shared>>
      tpu.enqueue_dma source(%arg4 : memref<640x128xf32, #tpu.memory_space<hbm>>) target(%dma_start3A_13 : memref<640x128xf32, #tpu.memory_space<vmem_shared>>) target_semaphore(%run_scoped3A : memref<!tpu.dma_semaphore, #tpu.memory_space<semaphore_mem>>)
      %dma_wait3A = arith.constant 0 : i32
      %dma_wait3A_14 = tpu.memref_slice %arg8[%mul3A_2, %dma_wait3A] : memref<10240x128xf32, #tpu.memory_space<vmem_shared>> -> memref<640x128xf32, #tpu.memory_space<vmem_shared>>
      tpu.wait_dma2 semaphore(%run_scoped3A : memref<!tpu.dma_semaphore, #tpu.memory_space<semaphore_mem>>) src(%arg4 : memref<640x128xf32, #tpu.memory_space<hbm>>) dst(%dma_wait3A_14 : memref<640x128xf32, #tpu.memory_space<vmem_shared>>)
      tpu.yield
    }) : () -> ()
    "tpu.region"() ({
      %run_scoped3A = tpu.sem_alloc : memref<!tpu.dma_semaphore, #tpu.memory_space<semaphore_mem>>
      %dma_start3A = arith.constant 0 : i32
      %dma_start3A_13 = arith.constant 0 : i32
      %dma_start3A_14 = tpu.memref_slice %arg2[%add3A, %dma_start3A, %dma_start3A_13] : memref<32x80x128xi32, #tpu.memory_space<hbm>> -> memref<1x80x128xi32, #tpu.memory_space<hbm>>
      %dma_start3A_15 = tpu.memref_squeeze %dma_start3A_14 : memref<1x80x128xi32, #tpu.memory_space<hbm>> -> memref<80x128xi32, #tpu.memory_space<hbm>>
      %dma_start3A_16 = arith.constant 0 : i32
      %dma_start3A_17 = arith.constant 0 : i32
      %dma_start3A_18 = tpu.memref_slice %arg2[%add3A, %dma_start3A_16, %dma_start3A_17] : memref<32x80x128xi32, #tpu.memory_space<hbm>> -> memref<1x80x128xi32, #tpu.memory_space<hbm>>
      %dma_start3A_19 = tpu.memref_squeeze %dma_start3A_18 : memref<1x80x128xi32, #tpu.memory_space<hbm>> -> memref<80x128xi32, #tpu.memory_space<hbm>>
      tpu.enqueue_dma source(%dma_start3A_19 : memref<80x128xi32, #tpu.memory_space<hbm>>) target(%arg6 : memref<80x128xi32, #tpu.memory_space<vmem>>) target_semaphore(%run_scoped3A : memref<!tpu.dma_semaphore, #tpu.memory_space<semaphore_mem>>)
      %dma_wait3A = arith.constant 0 : i32
      %dma_wait3A_20 = arith.constant 0 : i32
      %dma_wait3A_21 = tpu.memref_slice %arg2[%add3A, %dma_wait3A, %dma_wait3A_20] : memref<32x80x128xi32, #tpu.memory_space<hbm>> -> memref<1x80x128xi32, #tpu.memory_space<hbm>>
      %dma_wait3A_22 = tpu.memref_squeeze %dma_wait3A_21 : memref<1x80x128xi32, #tpu.memory_space<hbm>> -> memref<80x128xi32, #tpu.memory_space<hbm>>
      %dma_wait3A_23 = arith.constant 0 : i32
      %dma_wait3A_24 = arith.constant 0 : i32
      %dma_wait3A_25 = tpu.memref_slice %arg2[%add3A, %dma_wait3A_23, %dma_wait3A_24] : memref<32x80x128xi32, #tpu.memory_space<hbm>> -> memref<1x80x128xi32, #tpu.memory_space<hbm>>
      %dma_wait3A_26 = tpu.memref_squeeze %dma_wait3A_25 : memref<1x80x128xi32, #tpu.memory_space<hbm>> -> memref<80x128xi32, #tpu.memory_space<hbm>>
      tpu.wait_dma2 semaphore(%run_scoped3A : memref<!tpu.dma_semaphore, #tpu.memory_space<semaphore_mem>>) src(%dma_wait3A_26 : memref<80x128xi32, #tpu.memory_space<hbm>>) dst(%arg6 : memref<80x128xi32, #tpu.memory_space<vmem>>)
      tpu.yield
    }) : () -> ()
    "tpu.region"() ({
      %run_scoped3A = tpu.sem_alloc : memref<!tpu.dma_semaphore, #tpu.memory_space<semaphore_mem>>
      tpu.enqueue_dma source(%arg3 : memref<128x128xf32, #tpu.memory_space<hbm>>) target(%arg7 : memref<128x128xf32, #tpu.memory_space<vmem>>) target_semaphore(%run_scoped3A : memref<!tpu.dma_semaphore, #tpu.memory_space<semaphore_mem>>)
      tpu.wait_dma2 semaphore(%run_scoped3A : memref<!tpu.dma_semaphore, #tpu.memory_space<semaphore_mem>>) src(%arg3 : memref<128x128xf32, #tpu.memory_space<hbm>>) dst(%arg7 : memref<128x128xf32, #tpu.memory_space<vmem>>)
      tpu.yield
    }) : () -> ()
    %barrier3A = arith.constant 0 : index
    tpu.barrier barrier_id(%barrier3A)
    %scan3A = arith.constant 0 : i32
    %scan3A_3 = arith.constant 0 : i32
    %scan3A_4 = arith.constant 80 : i32
    %scan3A_5 = arith.addi %scan3A_3, %scan3A_4 : i32
    %scan3A_6 = arith.constant 1 : i32
    scf.for %scan3A_13 = %scan3A_3 to %scan3A_5 step %scan3A_6  : i32 {
      "tpu.region"() ({
        %run_scoped3A = tpu.sem_alloc : memref<!tpu.dma_semaphore, #tpu.memory_space<semaphore_mem>>
        %dma_start3A = arith.constant 0 : i32
        %dma_start3A_14 = tpu.memref_slice %arg6[%scan3A_13, %dma_start3A] : memref<80x128xi32, #tpu.memory_space<vmem>> -> memref<1x128xi32, #tpu.memory_space<vmem>>
        %dma_start3A_15 = tpu.memref_squeeze %dma_start3A_14 : memref<1x128xi32, #tpu.memory_space<vmem>> -> memref<128xi32, #tpu.memory_space<vmem>>
        %dma_start3A_16 = arith.constant 0 : i32
        %dma_start3A_17 = arith.constant 0 : i32
        %dma_start3A_18 = tpu.memref_slice %arg8[%dma_start3A_16, %dma_start3A_17] : memref<10240x128xf32, #tpu.memory_space<vmem_shared>> -> memref<10240x128xf32, #tpu.memory_space<vmem_shared>>
        tpu.enqueue_indirect_dma source(%arg7 : memref<128x128xf32, #tpu.memory_space<vmem>>) target(%dma_start3A_18 : memref<10240x128xf32, #tpu.memory_space<vmem_shared>>) offsets(%dma_start3A_15 : memref<128xi32, #tpu.memory_space<vmem>>) semaphore(%run_scoped3A : memref<!tpu.dma_semaphore, #tpu.memory_space<semaphore_mem>>) {add = true}
        %dma_wait3A = arith.constant 0 : i32
        %dma_wait3A_19 = tpu.memref_slice %arg6[%scan3A_13, %dma_wait3A] : memref<80x128xi32, #tpu.memory_space<vmem>> -> memref<1x128xi32, #tpu.memory_space<vmem>>
        %dma_wait3A_20 = tpu.memref_squeeze %dma_wait3A_19 : memref<1x128xi32, #tpu.memory_space<vmem>> -> memref<128xi32, #tpu.memory_space<vmem>>
        %dma_wait3A_21 = arith.constant 0 : i32
        %dma_wait3A_22 = arith.constant 0 : i32
        %dma_wait3A_23 = tpu.memref_slice %arg8[%dma_wait3A_21, %dma_wait3A_22] : memref<10240x128xf32, #tpu.memory_space<vmem_shared>> -> memref<10240x128xf32, #tpu.memory_space<vmem_shared>>
        tpu.wait_indirect_dma semaphore(%run_scoped3A : memref<!tpu.dma_semaphore, #tpu.memory_space<semaphore_mem>>) src(%arg7 : memref<128x128xf32, #tpu.memory_space<vmem>>) dst(%dma_wait3A_23 : memref<10240x128xf32, #tpu.memory_space<vmem_shared>>)
        tpu.yield
      }) : () -> ()
    }
    %scan3A_7 = arith.constant 80 : i32
    %barrier3A_8 = arith.constant 0 : index
    tpu.barrier barrier_id(%barrier3A_8)
    %mul3A_9 = arith.constant 640 : i32
    %mul3A_10 = arith.muli %arg1, %mul3A_9 : i32
    %mul3A_11 = arith.constant 640 : i32
    %mul3A_12 = arith.muli %arg1, %mul3A_11 : i32
    "tpu.region"() ({
      %run_scoped3A = tpu.sem_alloc : memref<!tpu.dma_semaphore, #tpu.memory_space<semaphore_mem>>
      %dma_start3A = arith.constant 0 : i32
      %dma_start3A_13 = arith.constant 0 : i32
      %dma_start3A_14 = tpu.memref_slice %arg5[%arg0, %dma_start3A, %dma_start3A_13] : memref<2x10240x128xf32, #tpu.memory_space<hbm>> -> memref<1x10240x128xf32, #tpu.memory_space<hbm>>
      %dma_start3A_15 = tpu.memref_squeeze %dma_start3A_14 : memref<1x10240x128xf32, #tpu.memory_space<hbm>> -> memref<10240x128xf32, #tpu.memory_space<hbm>>
      %dma_start3A_16 = arith.constant 0 : i32
      %dma_start3A_17 = tpu.memref_slice %dma_start3A_15[%mul3A_12, %dma_start3A_16] : memref<10240x128xf32, #tpu.memory_space<hbm>> -> memref<640x128xf32, #tpu.memory_space<hbm>>
      %dma_start3A_18 = arith.constant 0 : i32
      %dma_start3A_19 = tpu.memref_slice %arg8[%mul3A_10, %dma_start3A_18] : memref<10240x128xf32, #tpu.memory_space<vmem_shared>> -> memref<640x128xf32, #tpu.memory_space<vmem_shared>>
      tpu.enqueue_dma source(%dma_start3A_19 : memref<640x128xf32, #tpu.memory_space<vmem_shared>>) target(%dma_start3A_17 : memref<640x128xf32, #tpu.memory_space<hbm>>) target_semaphore(%run_scoped3A : memref<!tpu.dma_semaphore, #tpu.memory_space<semaphore_mem>>)
      %dma_wait3A = arith.constant 0 : i32
      %dma_wait3A_20 = arith.constant 0 : i32
      %dma_wait3A_21 = tpu.memref_slice %arg5[%arg0, %dma_wait3A, %dma_wait3A_20] : memref<2x10240x128xf32, #tpu.memory_space<hbm>> -> memref<1x10240x128xf32, #tpu.memory_space<hbm>>
      %dma_wait3A_22 = tpu.memref_squeeze %dma_wait3A_21 : memref<1x10240x128xf32, #tpu.memory_space<hbm>> -> memref<10240x128xf32, #tpu.memory_space<hbm>>
      %dma_wait3A_23 = arith.constant 0 : i32
      %dma_wait3A_24 = tpu.memref_slice %dma_wait3A_22[%mul3A_12, %dma_wait3A_23] : memref<10240x128xf32, #tpu.memory_space<hbm>> -> memref<640x128xf32, #tpu.memory_space<hbm>>
      %dma_wait3A_25 = arith.constant 0 : i32
      %dma_wait3A_26 = tpu.memref_slice %arg8[%mul3A_10, %dma_wait3A_25] : memref<10240x128xf32, #tpu.memory_space<vmem_shared>> -> memref<640x128xf32, #tpu.memory_space<vmem_shared>>
      tpu.wait_dma2 semaphore(%run_scoped3A : memref<!tpu.dma_semaphore, #tpu.memory_space<semaphore_mem>>) src(%dma_wait3A_26 : memref<640x128xf32, #tpu.memory_space<vmem_shared>>) dst(%dma_wait3A_24 : memref<640x128xf32, #tpu.memory_space<hbm>>)
      tpu.yield
    }) : () -> ()
    return
  }
}

#map = affine_map<(d0, d1) -> (0, 0)>
#map1 = affine_map<(d0, d1) -> (0, 0, 0)>
module attributes {stable_mosaic.version = 14 : i64} {
  func.func @_agg_kernel(%arg0: i32, %arg1: i32, %arg2: memref<10000x128xf32, #tpu.memory_space<hbm>>, %arg3: memref<2560x128xi32, #tpu.memory_space<hbm>>, %arg4: memref<2560x128xi32, #tpu.memory_space<hbm>>, %arg5: memref<640x128xf32, #tpu.memory_space<hbm>>, %arg6: memref<2x10240x128xf32, #tpu.memory_space<hbm>>, %arg7: memref<40x128xi32, #tpu.memory_space<vmem>>, %arg8: memref<40x128xi32, #tpu.memory_space<vmem>>, %arg9: memref<128x128xf32, #tpu.memory_space<vmem>>, %arg10: memref<128x128xf32, #tpu.memory_space<vmem>>, %arg11: memref<10240x128xf32, #tpu.memory_space<vmem_shared>>, %arg12: memref<!tpu.dma_semaphore, #tpu.memory_space<semaphore_mem>>, %arg13: memref<!tpu.dma_semaphore, #tpu.memory_space<semaphore_mem>>) attributes {dimension_semantics = [#tpu.dimension_semantics<core_parallel>, #tpu.dimension_semantics<subcore_parallel>], iteration_bounds = array<i64: 2, 16>, scalar_prefetch = 0 : i64, scratch_operands = 7 : i64, tpu.core_type = #tpu.core_type<sc_vector_subcore>, window_params = [{transform_indices = #map}, {transform_indices = #map}, {transform_indices = #map}, {transform_indices = #map}, {transform_indices = #map1}]} {
    %eq3A = arith.constant 0 : i32
    %eq3A_0 = arith.cmpi eq, %arg0, %eq3A : i32
    %mul3A = arith.constant 80 : i32
    %mul3A_1 = arith.muli %arg1, %mul3A : i32
    %mul3A_2 = arith.constant 80 : i32
    %mul3A_3 = arith.muli %arg1, %mul3A_2 : i32
    %add3A = arith.constant 1280 : i32
    %add3A_4 = arith.addi %add3A, %mul3A_3 : i32
    %select_n3A = arith.select %eq3A_0, %mul3A_1, %add3A_4 : i32
    %eq3A_5 = arith.constant 0 : i32
    %eq3A_6 = arith.cmpi eq, %arg0, %eq3A_5 : i32
    %jit3A = arith.constant 2 : i32
    %jit3A_7 = arith.constant 2 : i32
    %select_n3A_8 = arith.select %eq3A_6, %jit3A, %jit3A_7 : i32
    %mul3A_9 = arith.constant 640 : i32
    %mul3A_10 = arith.muli %arg1, %mul3A_9 : i32
    "tpu.region"() ({
      %run_scoped3A = tpu.sem_alloc : memref<!tpu.dma_semaphore, #tpu.memory_space<semaphore_mem>>
      %dma_start3A = arith.constant 0 : i32
      %dma_start3A_23 = tpu.memref_slice %arg11[%mul3A_10, %dma_start3A] : memref<10240x128xf32, #tpu.memory_space<vmem_shared>> -> memref<640x128xf32, #tpu.memory_space<vmem_shared>>
      tpu.enqueue_dma source(%arg5 : memref<640x128xf32, #tpu.memory_space<hbm>>) target(%dma_start3A_23 : memref<640x128xf32, #tpu.memory_space<vmem_shared>>) target_semaphore(%run_scoped3A : memref<!tpu.dma_semaphore, #tpu.memory_space<semaphore_mem>>)
      %dma_wait3A = arith.constant 0 : i32
      %dma_wait3A_24 = tpu.memref_slice %arg11[%mul3A_10, %dma_wait3A] : memref<10240x128xf32, #tpu.memory_space<vmem_shared>> -> memref<640x128xf32, #tpu.memory_space<vmem_shared>>
      tpu.wait_dma2 semaphore(%run_scoped3A : memref<!tpu.dma_semaphore, #tpu.memory_space<semaphore_mem>>) src(%arg5 : memref<640x128xf32, #tpu.memory_space<hbm>>) dst(%dma_wait3A_24 : memref<640x128xf32, #tpu.memory_space<vmem_shared>>)
      tpu.yield
    }) : () -> ()
    %barrier3A = arith.constant 0 : index
    tpu.barrier barrier_id(%barrier3A)
    %gt3A = arith.constant 0 : i32
    %gt3A_11 = arith.cmpi sgt, %select_n3A_8, %gt3A : i32
    %convert_element_type3A = arith.extui %gt3A_11 : i1 to i32
    %cond3A = arith.constant 0 : i32
    %cond3A_12 = arith.cmpi ne, %convert_element_type3A, %cond3A : i32
    scf.if %cond3A_12 {
      %add3A_23 = arith.constant 0 : i32
      %add3A_24 = arith.addi %select_n3A, %add3A_23 : i32
      "tpu.region"() ({
        %run_scoped3A = tpu.sem_alloc : memref<!tpu.dma_semaphore, #tpu.memory_space<semaphore_mem>>
        %dma_start3A_36 = arith.constant 0 : i32
        %dma_start3A_37 = tpu.memref_slice %arg3[%add3A_24, %dma_start3A_36] : memref<2560x128xi32, #tpu.memory_space<hbm>> -> memref<40x128xi32, #tpu.memory_space<hbm>>
        %dma_start3A_38 = arith.constant 0 : i32
        %dma_start3A_39 = tpu.memref_slice %arg3[%add3A_24, %dma_start3A_38] : memref<2560x128xi32, #tpu.memory_space<hbm>> -> memref<40x128xi32, #tpu.memory_space<hbm>>
        tpu.enqueue_dma source(%dma_start3A_39 : memref<40x128xi32, #tpu.memory_space<hbm>>) target(%arg7 : memref<40x128xi32, #tpu.memory_space<vmem>>) target_semaphore(%run_scoped3A : memref<!tpu.dma_semaphore, #tpu.memory_space<semaphore_mem>>)
        %dma_wait3A = arith.constant 0 : i32
        %dma_wait3A_40 = tpu.memref_slice %arg3[%add3A_24, %dma_wait3A] : memref<2560x128xi32, #tpu.memory_space<hbm>> -> memref<40x128xi32, #tpu.memory_space<hbm>>
        %dma_wait3A_41 = arith.constant 0 : i32
        %dma_wait3A_42 = tpu.memref_slice %arg3[%add3A_24, %dma_wait3A_41] : memref<2560x128xi32, #tpu.memory_space<hbm>> -> memref<40x128xi32, #tpu.memory_space<hbm>>
        tpu.wait_dma2 semaphore(%run_scoped3A : memref<!tpu.dma_semaphore, #tpu.memory_space<semaphore_mem>>) src(%dma_wait3A_42 : memref<40x128xi32, #tpu.memory_space<hbm>>) dst(%arg7 : memref<40x128xi32, #tpu.memory_space<vmem>>)
        tpu.yield
      }) : () -> ()
      "tpu.region"() ({
        %run_scoped3A = tpu.sem_alloc : memref<!tpu.dma_semaphore, #tpu.memory_space<semaphore_mem>>
        %dma_start3A_36 = arith.constant 0 : i32
        %dma_start3A_37 = tpu.memref_slice %arg4[%add3A_24, %dma_start3A_36] : memref<2560x128xi32, #tpu.memory_space<hbm>> -> memref<40x128xi32, #tpu.memory_space<hbm>>
        %dma_start3A_38 = arith.constant 0 : i32
        %dma_start3A_39 = tpu.memref_slice %arg4[%add3A_24, %dma_start3A_38] : memref<2560x128xi32, #tpu.memory_space<hbm>> -> memref<40x128xi32, #tpu.memory_space<hbm>>
        tpu.enqueue_dma source(%dma_start3A_39 : memref<40x128xi32, #tpu.memory_space<hbm>>) target(%arg8 : memref<40x128xi32, #tpu.memory_space<vmem>>) target_semaphore(%run_scoped3A : memref<!tpu.dma_semaphore, #tpu.memory_space<semaphore_mem>>)
        %dma_wait3A = arith.constant 0 : i32
        %dma_wait3A_40 = tpu.memref_slice %arg4[%add3A_24, %dma_wait3A] : memref<2560x128xi32, #tpu.memory_space<hbm>> -> memref<40x128xi32, #tpu.memory_space<hbm>>
        %dma_wait3A_41 = arith.constant 0 : i32
        %dma_wait3A_42 = tpu.memref_slice %arg4[%add3A_24, %dma_wait3A_41] : memref<2560x128xi32, #tpu.memory_space<hbm>> -> memref<40x128xi32, #tpu.memory_space<hbm>>
        tpu.wait_dma2 semaphore(%run_scoped3A : memref<!tpu.dma_semaphore, #tpu.memory_space<semaphore_mem>>) src(%dma_wait3A_42 : memref<40x128xi32, #tpu.memory_space<hbm>>) dst(%arg8 : memref<40x128xi32, #tpu.memory_space<vmem>>)
        tpu.yield
      }) : () -> ()
      %dma_start3A = arith.constant 0 : i32
      %dma_start3A_25 = arith.constant 0 : i32
      %dma_start3A_26 = tpu.memref_slice %arg7[%dma_start3A, %dma_start3A_25] : memref<40x128xi32, #tpu.memory_space<vmem>> -> memref<1x128xi32, #tpu.memory_space<vmem>>
      %dma_start3A_27 = tpu.memref_squeeze %dma_start3A_26 : memref<1x128xi32, #tpu.memory_space<vmem>> -> memref<128xi32, #tpu.memory_space<vmem>>
      %dma_start3A_28 = arith.constant 0 : i32
      %dma_start3A_29 = arith.constant 0 : i32
      %dma_start3A_30 = tpu.memref_slice %arg2[%dma_start3A_28, %dma_start3A_29] : memref<10000x128xf32, #tpu.memory_space<hbm>> -> memref<10000x128xf32, #tpu.memory_space<hbm>>
      tpu.enqueue_indirect_dma source(%dma_start3A_30 : memref<10000x128xf32, #tpu.memory_space<hbm>>) target(%arg9 : memref<128x128xf32, #tpu.memory_space<vmem>>) offsets(%dma_start3A_27 : memref<128xi32, #tpu.memory_space<vmem>>) semaphore(%arg12 : memref<!tpu.dma_semaphore, #tpu.memory_space<semaphore_mem>>)
      %scan3A = arith.constant 0 : i32
      %scan3A_31 = arith.constant 0 : i32
      %scan3A_32 = arith.constant 20 : i32
      %scan3A_33 = arith.addi %scan3A_31, %scan3A_32 : i32
      %scan3A_34 = arith.constant 1 : i32
      scf.for %scan3A_36 = %scan3A_31 to %scan3A_33 step %scan3A_34  : i32 {
        %mul3A_37 = arith.constant 2 : i32
        %mul3A_38 = arith.muli %mul3A_37, %scan3A_36 : i32
        %mul3A_39 = arith.constant 2 : i32
        %mul3A_40 = arith.muli %mul3A_39, %scan3A_36 : i32
        %add3A_41 = arith.constant 1 : i32
        %add3A_42 = arith.addi %mul3A_40, %add3A_41 : i32
        %dma_start3A_43 = arith.constant 0 : i32
        %dma_start3A_44 = tpu.memref_slice %arg7[%add3A_42, %dma_start3A_43] : memref<40x128xi32, #tpu.memory_space<vmem>> -> memref<1x128xi32, #tpu.memory_space<vmem>>
        %dma_start3A_45 = tpu.memref_squeeze %dma_start3A_44 : memref<1x128xi32, #tpu.memory_space<vmem>> -> memref<128xi32, #tpu.memory_space<vmem>>
        %dma_start3A_46 = arith.constant 0 : i32
        %dma_start3A_47 = arith.constant 0 : i32
        %dma_start3A_48 = tpu.memref_slice %arg2[%dma_start3A_46, %dma_start3A_47] : memref<10000x128xf32, #tpu.memory_space<hbm>> -> memref<10000x128xf32, #tpu.memory_space<hbm>>
        tpu.enqueue_indirect_dma source(%dma_start3A_48 : memref<10000x128xf32, #tpu.memory_space<hbm>>) target(%arg10 : memref<128x128xf32, #tpu.memory_space<vmem>>) offsets(%dma_start3A_45 : memref<128xi32, #tpu.memory_space<vmem>>) semaphore(%arg13 : memref<!tpu.dma_semaphore, #tpu.memory_space<semaphore_mem>>)
        %dma_wait3A = arith.constant 0 : i32
        %dma_wait3A_49 = arith.constant 0 : i32
        %dma_wait3A_50 = tpu.memref_slice %arg2[%dma_wait3A, %dma_wait3A_49] : memref<10000x128xf32, #tpu.memory_space<hbm>> -> memref<128x128xf32, #tpu.memory_space<hbm>>
        %dma_wait3A_51 = arith.constant 0 : i32
        %dma_wait3A_52 = arith.constant 0 : i32
        %dma_wait3A_53 = tpu.memref_slice %arg2[%dma_wait3A_51, %dma_wait3A_52] : memref<10000x128xf32, #tpu.memory_space<hbm>> -> memref<128x128xf32, #tpu.memory_space<hbm>>
        tpu.wait_dma2 semaphore(%arg12 : memref<!tpu.dma_semaphore, #tpu.memory_space<semaphore_mem>>) src(%dma_wait3A_53 : memref<128x128xf32, #tpu.memory_space<hbm>>) dst(%arg9 : memref<128x128xf32, #tpu.memory_space<vmem>>)
        "tpu.region"() ({
          %run_scoped3A = tpu.sem_alloc : memref<!tpu.dma_semaphore, #tpu.memory_space<semaphore_mem>>
          %dma_start3A_64 = arith.constant 0 : i32
          %dma_start3A_65 = tpu.memref_slice %arg8[%mul3A_38, %dma_start3A_64] : memref<40x128xi32, #tpu.memory_space<vmem>> -> memref<1x128xi32, #tpu.memory_space<vmem>>
          %dma_start3A_66 = tpu.memref_squeeze %dma_start3A_65 : memref<1x128xi32, #tpu.memory_space<vmem>> -> memref<128xi32, #tpu.memory_space<vmem>>
          %dma_start3A_67 = arith.constant 0 : i32
          %dma_start3A_68 = arith.constant 0 : i32
          %dma_start3A_69 = tpu.memref_slice %arg11[%dma_start3A_67, %dma_start3A_68] : memref<10240x128xf32, #tpu.memory_space<vmem_shared>> -> memref<10240x128xf32, #tpu.memory_space<vmem_shared>>
          tpu.enqueue_indirect_dma source(%arg9 : memref<128x128xf32, #tpu.memory_space<vmem>>) target(%dma_start3A_69 : memref<10240x128xf32, #tpu.memory_space<vmem_shared>>) offsets(%dma_start3A_66 : memref<128xi32, #tpu.memory_space<vmem>>) semaphore(%run_scoped3A : memref<!tpu.dma_semaphore, #tpu.memory_space<semaphore_mem>>) {add = true}
          %dma_wait3A_70 = arith.constant 0 : i32
          %dma_wait3A_71 = tpu.memref_slice %arg8[%mul3A_38, %dma_wait3A_70] : memref<40x128xi32, #tpu.memory_space<vmem>> -> memref<1x128xi32, #tpu.memory_space<vmem>>
          %dma_wait3A_72 = tpu.memref_squeeze %dma_wait3A_71 : memref<1x128xi32, #tpu.memory_space<vmem>> -> memref<128xi32, #tpu.memory_space<vmem>>
          %dma_wait3A_73 = arith.constant 0 : i32
          %dma_wait3A_74 = arith.constant 0 : i32
          %dma_wait3A_75 = tpu.memref_slice %arg11[%dma_wait3A_73, %dma_wait3A_74] : memref<10240x128xf32, #tpu.memory_space<vmem_shared>> -> memref<10240x128xf32, #tpu.memory_space<vmem_shared>>
          tpu.wait_indirect_dma semaphore(%run_scoped3A : memref<!tpu.dma_semaphore, #tpu.memory_space<semaphore_mem>>) src(%arg9 : memref<128x128xf32, #tpu.memory_space<vmem>>) dst(%dma_wait3A_75 : memref<10240x128xf32, #tpu.memory_space<vmem_shared>>)
          tpu.yield
        }) : () -> ()
        %lt3A = arith.constant 19 : i32
        %lt3A_54 = arith.cmpi slt, %scan3A_36, %lt3A : i32
        %convert_element_type3A_55 = arith.extui %lt3A_54 : i1 to i32
        %cond3A_56 = arith.constant 0 : i32
        %cond3A_57 = arith.cmpi ne, %convert_element_type3A_55, %cond3A_56 : i32
        scf.if %cond3A_57 {
          %add3A_64 = arith.constant 2 : i32
          %add3A_65 = arith.addi %mul3A_38, %add3A_64 : i32
          %dma_start3A_66 = arith.constant 0 : i32
          %dma_start3A_67 = tpu.memref_slice %arg7[%add3A_65, %dma_start3A_66] : memref<40x128xi32, #tpu.memory_space<vmem>> -> memref<1x128xi32, #tpu.memory_space<vmem>>
          %dma_start3A_68 = tpu.memref_squeeze %dma_start3A_67 : memref<1x128xi32, #tpu.memory_space<vmem>> -> memref<128xi32, #tpu.memory_space<vmem>>
          %dma_start3A_69 = arith.constant 0 : i32
          %dma_start3A_70 = arith.constant 0 : i32
          %dma_start3A_71 = tpu.memref_slice %arg2[%dma_start3A_69, %dma_start3A_70] : memref<10000x128xf32, #tpu.memory_space<hbm>> -> memref<10000x128xf32, #tpu.memory_space<hbm>>
          tpu.enqueue_indirect_dma source(%dma_start3A_71 : memref<10000x128xf32, #tpu.memory_space<hbm>>) target(%arg9 : memref<128x128xf32, #tpu.memory_space<vmem>>) offsets(%dma_start3A_68 : memref<128xi32, #tpu.memory_space<vmem>>) semaphore(%arg12 : memref<!tpu.dma_semaphore, #tpu.memory_space<semaphore_mem>>)
        } else {
        }
        %dma_wait3A_58 = arith.constant 0 : i32
        %dma_wait3A_59 = arith.constant 0 : i32
        %dma_wait3A_60 = tpu.memref_slice %arg2[%dma_wait3A_58, %dma_wait3A_59] : memref<10000x128xf32, #tpu.memory_space<hbm>> -> memref<128x128xf32, #tpu.memory_space<hbm>>
        %dma_wait3A_61 = arith.constant 0 : i32
        %dma_wait3A_62 = arith.constant 0 : i32
        %dma_wait3A_63 = tpu.memref_slice %arg2[%dma_wait3A_61, %dma_wait3A_62] : memref<10000x128xf32, #tpu.memory_space<hbm>> -> memref<128x128xf32, #tpu.memory_space<hbm>>
        tpu.wait_dma2 semaphore(%arg13 : memref<!tpu.dma_semaphore, #tpu.memory_space<semaphore_mem>>) src(%dma_wait3A_63 : memref<128x128xf32, #tpu.memory_space<hbm>>) dst(%arg9 : memref<128x128xf32, #tpu.memory_space<vmem>>)
        "tpu.region"() ({
          %run_scoped3A = tpu.sem_alloc : memref<!tpu.dma_semaphore, #tpu.memory_space<semaphore_mem>>
          %dma_start3A_64 = arith.constant 0 : i32
          %dma_start3A_65 = tpu.memref_slice %arg8[%add3A_42, %dma_start3A_64] : memref<40x128xi32, #tpu.memory_space<vmem>> -> memref<1x128xi32, #tpu.memory_space<vmem>>
          %dma_start3A_66 = tpu.memref_squeeze %dma_start3A_65 : memref<1x128xi32, #tpu.memory_space<vmem>> -> memref<128xi32, #tpu.memory_space<vmem>>
          %dma_start3A_67 = arith.constant 0 : i32
          %dma_start3A_68 = arith.constant 0 : i32
          %dma_start3A_69 = tpu.memref_slice %arg11[%dma_start3A_67, %dma_start3A_68] : memref<10240x128xf32, #tpu.memory_space<vmem_shared>> -> memref<10240x128xf32, #tpu.memory_space<vmem_shared>>
          tpu.enqueue_indirect_dma source(%arg10 : memref<128x128xf32, #tpu.memory_space<vmem>>) target(%dma_start3A_69 : memref<10240x128xf32, #tpu.memory_space<vmem_shared>>) offsets(%dma_start3A_66 : memref<128xi32, #tpu.memory_space<vmem>>) semaphore(%run_scoped3A : memref<!tpu.dma_semaphore, #tpu.memory_space<semaphore_mem>>) {add = true}
          %dma_wait3A_70 = arith.constant 0 : i32
          %dma_wait3A_71 = tpu.memref_slice %arg8[%add3A_42, %dma_wait3A_70] : memref<40x128xi32, #tpu.memory_space<vmem>> -> memref<1x128xi32, #tpu.memory_space<vmem>>
          %dma_wait3A_72 = tpu.memref_squeeze %dma_wait3A_71 : memref<1x128xi32, #tpu.memory_space<vmem>> -> memref<128xi32, #tpu.memory_space<vmem>>
          %dma_wait3A_73 = arith.constant 0 : i32
          %dma_wait3A_74 = arith.constant 0 : i32
          %dma_wait3A_75 = tpu.memref_slice %arg11[%dma_wait3A_73, %dma_wait3A_74] : memref<10240x128xf32, #tpu.memory_space<vmem_shared>> -> memref<10240x128xf32, #tpu.memory_space<vmem_shared>>
          tpu.wait_indirect_dma semaphore(%run_scoped3A : memref<!tpu.dma_semaphore, #tpu.memory_space<semaphore_mem>>) src(%arg10 : memref<128x128xf32, #tpu.memory_space<vmem>>) dst(%dma_wait3A_75 : memref<10240x128xf32, #tpu.memory_space<vmem_shared>>)
          tpu.yield
        }) : () -> ()
      }
      %scan3A_35 = arith.constant 20 : i32
    } else {
    }
    %gt3A_13 = arith.constant 1 : i32
    %gt3A_14 = arith.cmpi sgt, %select_n3A_8, %gt3A_13 : i32
    %convert_element_type3A_15 = arith.extui %gt3A_14 : i1 to i32
    %cond3A_16 = arith.constant 0 : i32
    %cond3A_17 = arith.cmpi ne, %convert_element_type3A_15, %cond3A_16 : i32
    scf.if %cond3A_17 {
      %add3A_23 = arith.constant 40 : i32
      %add3A_24 = arith.addi %select_n3A, %add3A_23 : i32
      "tpu.region"() ({
        %run_scoped3A = tpu.sem_alloc : memref<!tpu.dma_semaphore, #tpu.memory_space<semaphore_mem>>
        %dma_start3A_36 = arith.constant 0 : i32
        %dma_start3A_37 = tpu.memref_slice %arg3[%add3A_24, %dma_start3A_36] : memref<2560x128xi32, #tpu.memory_space<hbm>> -> memref<40x128xi32, #tpu.memory_space<hbm>>
        %dma_start3A_38 = arith.constant 0 : i32
        %dma_start3A_39 = tpu.memref_slice %arg3[%add3A_24, %dma_start3A_38] : memref<2560x128xi32, #tpu.memory_space<hbm>> -> memref<40x128xi32, #tpu.memory_space<hbm>>
        tpu.enqueue_dma source(%dma_start3A_39 : memref<40x128xi32, #tpu.memory_space<hbm>>) target(%arg7 : memref<40x128xi32, #tpu.memory_space<vmem>>) target_semaphore(%run_scoped3A : memref<!tpu.dma_semaphore, #tpu.memory_space<semaphore_mem>>)
        %dma_wait3A = arith.constant 0 : i32
        %dma_wait3A_40 = tpu.memref_slice %arg3[%add3A_24, %dma_wait3A] : memref<2560x128xi32, #tpu.memory_space<hbm>> -> memref<40x128xi32, #tpu.memory_space<hbm>>
        %dma_wait3A_41 = arith.constant 0 : i32
        %dma_wait3A_42 = tpu.memref_slice %arg3[%add3A_24, %dma_wait3A_41] : memref<2560x128xi32, #tpu.memory_space<hbm>> -> memref<40x128xi32, #tpu.memory_space<hbm>>
        tpu.wait_dma2 semaphore(%run_scoped3A : memref<!tpu.dma_semaphore, #tpu.memory_space<semaphore_mem>>) src(%dma_wait3A_42 : memref<40x128xi32, #tpu.memory_space<hbm>>) dst(%arg7 : memref<40x128xi32, #tpu.memory_space<vmem>>)
        tpu.yield
      }) : () -> ()
      "tpu.region"() ({
        %run_scoped3A = tpu.sem_alloc : memref<!tpu.dma_semaphore, #tpu.memory_space<semaphore_mem>>
        %dma_start3A_36 = arith.constant 0 : i32
        %dma_start3A_37 = tpu.memref_slice %arg4[%add3A_24, %dma_start3A_36] : memref<2560x128xi32, #tpu.memory_space<hbm>> -> memref<40x128xi32, #tpu.memory_space<hbm>>
        %dma_start3A_38 = arith.constant 0 : i32
        %dma_start3A_39 = tpu.memref_slice %arg4[%add3A_24, %dma_start3A_38] : memref<2560x128xi32, #tpu.memory_space<hbm>> -> memref<40x128xi32, #tpu.memory_space<hbm>>
        tpu.enqueue_dma source(%dma_start3A_39 : memref<40x128xi32, #tpu.memory_space<hbm>>) target(%arg8 : memref<40x128xi32, #tpu.memory_space<vmem>>) target_semaphore(%run_scoped3A : memref<!tpu.dma_semaphore, #tpu.memory_space<semaphore_mem>>)
        %dma_wait3A = arith.constant 0 : i32
        %dma_wait3A_40 = tpu.memref_slice %arg4[%add3A_24, %dma_wait3A] : memref<2560x128xi32, #tpu.memory_space<hbm>> -> memref<40x128xi32, #tpu.memory_space<hbm>>
        %dma_wait3A_41 = arith.constant 0 : i32
        %dma_wait3A_42 = tpu.memref_slice %arg4[%add3A_24, %dma_wait3A_41] : memref<2560x128xi32, #tpu.memory_space<hbm>> -> memref<40x128xi32, #tpu.memory_space<hbm>>
        tpu.wait_dma2 semaphore(%run_scoped3A : memref<!tpu.dma_semaphore, #tpu.memory_space<semaphore_mem>>) src(%dma_wait3A_42 : memref<40x128xi32, #tpu.memory_space<hbm>>) dst(%arg8 : memref<40x128xi32, #tpu.memory_space<vmem>>)
        tpu.yield
      }) : () -> ()
      %dma_start3A = arith.constant 0 : i32
      %dma_start3A_25 = arith.constant 0 : i32
      %dma_start3A_26 = tpu.memref_slice %arg7[%dma_start3A, %dma_start3A_25] : memref<40x128xi32, #tpu.memory_space<vmem>> -> memref<1x128xi32, #tpu.memory_space<vmem>>
      %dma_start3A_27 = tpu.memref_squeeze %dma_start3A_26 : memref<1x128xi32, #tpu.memory_space<vmem>> -> memref<128xi32, #tpu.memory_space<vmem>>
      %dma_start3A_28 = arith.constant 0 : i32
      %dma_start3A_29 = arith.constant 0 : i32
      %dma_start3A_30 = tpu.memref_slice %arg2[%dma_start3A_28, %dma_start3A_29] : memref<10000x128xf32, #tpu.memory_space<hbm>> -> memref<10000x128xf32, #tpu.memory_space<hbm>>
      tpu.enqueue_indirect_dma source(%dma_start3A_30 : memref<10000x128xf32, #tpu.memory_space<hbm>>) target(%arg9 : memref<128x128xf32, #tpu.memory_space<vmem>>) offsets(%dma_start3A_27 : memref<128xi32, #tpu.memory_space<vmem>>) semaphore(%arg12 : memref<!tpu.dma_semaphore, #tpu.memory_space<semaphore_mem>>)
      %scan3A = arith.constant 0 : i32
      %scan3A_31 = arith.constant 0 : i32
      %scan3A_32 = arith.constant 20 : i32
      %scan3A_33 = arith.addi %scan3A_31, %scan3A_32 : i32
      %scan3A_34 = arith.constant 1 : i32
      scf.for %scan3A_36 = %scan3A_31 to %scan3A_33 step %scan3A_34  : i32 {
        %mul3A_37 = arith.constant 2 : i32
        %mul3A_38 = arith.muli %mul3A_37, %scan3A_36 : i32
        %mul3A_39 = arith.constant 2 : i32
        %mul3A_40 = arith.muli %mul3A_39, %scan3A_36 : i32
        %add3A_41 = arith.constant 1 : i32
        %add3A_42 = arith.addi %mul3A_40, %add3A_41 : i32
        %dma_start3A_43 = arith.constant 0 : i32
        %dma_start3A_44 = tpu.memref_slice %arg7[%add3A_42, %dma_start3A_43] : memref<40x128xi32, #tpu.memory_space<vmem>> -> memref<1x128xi32, #tpu.memory_space<vmem>>
        %dma_start3A_45 = tpu.memref_squeeze %dma_start3A_44 : memref<1x128xi32, #tpu.memory_space<vmem>> -> memref<128xi32, #tpu.memory_space<vmem>>
        %dma_start3A_46 = arith.constant 0 : i32
        %dma_start3A_47 = arith.constant 0 : i32
        %dma_start3A_48 = tpu.memref_slice %arg2[%dma_start3A_46, %dma_start3A_47] : memref<10000x128xf32, #tpu.memory_space<hbm>> -> memref<10000x128xf32, #tpu.memory_space<hbm>>
        tpu.enqueue_indirect_dma source(%dma_start3A_48 : memref<10000x128xf32, #tpu.memory_space<hbm>>) target(%arg10 : memref<128x128xf32, #tpu.memory_space<vmem>>) offsets(%dma_start3A_45 : memref<128xi32, #tpu.memory_space<vmem>>) semaphore(%arg13 : memref<!tpu.dma_semaphore, #tpu.memory_space<semaphore_mem>>)
        %dma_wait3A = arith.constant 0 : i32
        %dma_wait3A_49 = arith.constant 0 : i32
        %dma_wait3A_50 = tpu.memref_slice %arg2[%dma_wait3A, %dma_wait3A_49] : memref<10000x128xf32, #tpu.memory_space<hbm>> -> memref<128x128xf32, #tpu.memory_space<hbm>>
        %dma_wait3A_51 = arith.constant 0 : i32
        %dma_wait3A_52 = arith.constant 0 : i32
        %dma_wait3A_53 = tpu.memref_slice %arg2[%dma_wait3A_51, %dma_wait3A_52] : memref<10000x128xf32, #tpu.memory_space<hbm>> -> memref<128x128xf32, #tpu.memory_space<hbm>>
        tpu.wait_dma2 semaphore(%arg12 : memref<!tpu.dma_semaphore, #tpu.memory_space<semaphore_mem>>) src(%dma_wait3A_53 : memref<128x128xf32, #tpu.memory_space<hbm>>) dst(%arg9 : memref<128x128xf32, #tpu.memory_space<vmem>>)
        "tpu.region"() ({
          %run_scoped3A = tpu.sem_alloc : memref<!tpu.dma_semaphore, #tpu.memory_space<semaphore_mem>>
          %dma_start3A_64 = arith.constant 0 : i32
          %dma_start3A_65 = tpu.memref_slice %arg8[%mul3A_38, %dma_start3A_64] : memref<40x128xi32, #tpu.memory_space<vmem>> -> memref<1x128xi32, #tpu.memory_space<vmem>>
          %dma_start3A_66 = tpu.memref_squeeze %dma_start3A_65 : memref<1x128xi32, #tpu.memory_space<vmem>> -> memref<128xi32, #tpu.memory_space<vmem>>
          %dma_start3A_67 = arith.constant 0 : i32
          %dma_start3A_68 = arith.constant 0 : i32
          %dma_start3A_69 = tpu.memref_slice %arg11[%dma_start3A_67, %dma_start3A_68] : memref<10240x128xf32, #tpu.memory_space<vmem_shared>> -> memref<10240x128xf32, #tpu.memory_space<vmem_shared>>
          tpu.enqueue_indirect_dma source(%arg9 : memref<128x128xf32, #tpu.memory_space<vmem>>) target(%dma_start3A_69 : memref<10240x128xf32, #tpu.memory_space<vmem_shared>>) offsets(%dma_start3A_66 : memref<128xi32, #tpu.memory_space<vmem>>) semaphore(%run_scoped3A : memref<!tpu.dma_semaphore, #tpu.memory_space<semaphore_mem>>) {add = true}
          %dma_wait3A_70 = arith.constant 0 : i32
          %dma_wait3A_71 = tpu.memref_slice %arg8[%mul3A_38, %dma_wait3A_70] : memref<40x128xi32, #tpu.memory_space<vmem>> -> memref<1x128xi32, #tpu.memory_space<vmem>>
          %dma_wait3A_72 = tpu.memref_squeeze %dma_wait3A_71 : memref<1x128xi32, #tpu.memory_space<vmem>> -> memref<128xi32, #tpu.memory_space<vmem>>
          %dma_wait3A_73 = arith.constant 0 : i32
          %dma_wait3A_74 = arith.constant 0 : i32
          %dma_wait3A_75 = tpu.memref_slice %arg11[%dma_wait3A_73, %dma_wait3A_74] : memref<10240x128xf32, #tpu.memory_space<vmem_shared>> -> memref<10240x128xf32, #tpu.memory_space<vmem_shared>>
          tpu.wait_indirect_dma semaphore(%run_scoped3A : memref<!tpu.dma_semaphore, #tpu.memory_space<semaphore_mem>>) src(%arg9 : memref<128x128xf32, #tpu.memory_space<vmem>>) dst(%dma_wait3A_75 : memref<10240x128xf32, #tpu.memory_space<vmem_shared>>)
          tpu.yield
        }) : () -> ()
        %lt3A = arith.constant 19 : i32
        %lt3A_54 = arith.cmpi slt, %scan3A_36, %lt3A : i32
        %convert_element_type3A_55 = arith.extui %lt3A_54 : i1 to i32
        %cond3A_56 = arith.constant 0 : i32
        %cond3A_57 = arith.cmpi ne, %convert_element_type3A_55, %cond3A_56 : i32
        scf.if %cond3A_57 {
          %add3A_64 = arith.constant 2 : i32
          %add3A_65 = arith.addi %mul3A_38, %add3A_64 : i32
          %dma_start3A_66 = arith.constant 0 : i32
          %dma_start3A_67 = tpu.memref_slice %arg7[%add3A_65, %dma_start3A_66] : memref<40x128xi32, #tpu.memory_space<vmem>> -> memref<1x128xi32, #tpu.memory_space<vmem>>
          %dma_start3A_68 = tpu.memref_squeeze %dma_start3A_67 : memref<1x128xi32, #tpu.memory_space<vmem>> -> memref<128xi32, #tpu.memory_space<vmem>>
          %dma_start3A_69 = arith.constant 0 : i32
          %dma_start3A_70 = arith.constant 0 : i32
          %dma_start3A_71 = tpu.memref_slice %arg2[%dma_start3A_69, %dma_start3A_70] : memref<10000x128xf32, #tpu.memory_space<hbm>> -> memref<10000x128xf32, #tpu.memory_space<hbm>>
          tpu.enqueue_indirect_dma source(%dma_start3A_71 : memref<10000x128xf32, #tpu.memory_space<hbm>>) target(%arg9 : memref<128x128xf32, #tpu.memory_space<vmem>>) offsets(%dma_start3A_68 : memref<128xi32, #tpu.memory_space<vmem>>) semaphore(%arg12 : memref<!tpu.dma_semaphore, #tpu.memory_space<semaphore_mem>>)
        } else {
        }
        %dma_wait3A_58 = arith.constant 0 : i32
        %dma_wait3A_59 = arith.constant 0 : i32
        %dma_wait3A_60 = tpu.memref_slice %arg2[%dma_wait3A_58, %dma_wait3A_59] : memref<10000x128xf32, #tpu.memory_space<hbm>> -> memref<128x128xf32, #tpu.memory_space<hbm>>
        %dma_wait3A_61 = arith.constant 0 : i32
        %dma_wait3A_62 = arith.constant 0 : i32
        %dma_wait3A_63 = tpu.memref_slice %arg2[%dma_wait3A_61, %dma_wait3A_62] : memref<10000x128xf32, #tpu.memory_space<hbm>> -> memref<128x128xf32, #tpu.memory_space<hbm>>
        tpu.wait_dma2 semaphore(%arg13 : memref<!tpu.dma_semaphore, #tpu.memory_space<semaphore_mem>>) src(%dma_wait3A_63 : memref<128x128xf32, #tpu.memory_space<hbm>>) dst(%arg9 : memref<128x128xf32, #tpu.memory_space<vmem>>)
        "tpu.region"() ({
          %run_scoped3A = tpu.sem_alloc : memref<!tpu.dma_semaphore, #tpu.memory_space<semaphore_mem>>
          %dma_start3A_64 = arith.constant 0 : i32
          %dma_start3A_65 = tpu.memref_slice %arg8[%add3A_42, %dma_start3A_64] : memref<40x128xi32, #tpu.memory_space<vmem>> -> memref<1x128xi32, #tpu.memory_space<vmem>>
          %dma_start3A_66 = tpu.memref_squeeze %dma_start3A_65 : memref<1x128xi32, #tpu.memory_space<vmem>> -> memref<128xi32, #tpu.memory_space<vmem>>
          %dma_start3A_67 = arith.constant 0 : i32
          %dma_start3A_68 = arith.constant 0 : i32
          %dma_start3A_69 = tpu.memref_slice %arg11[%dma_start3A_67, %dma_start3A_68] : memref<10240x128xf32, #tpu.memory_space<vmem_shared>> -> memref<10240x128xf32, #tpu.memory_space<vmem_shared>>
          tpu.enqueue_indirect_dma source(%arg10 : memref<128x128xf32, #tpu.memory_space<vmem>>) target(%dma_start3A_69 : memref<10240x128xf32, #tpu.memory_space<vmem_shared>>) offsets(%dma_start3A_66 : memref<128xi32, #tpu.memory_space<vmem>>) semaphore(%run_scoped3A : memref<!tpu.dma_semaphore, #tpu.memory_space<semaphore_mem>>) {add = true}
          %dma_wait3A_70 = arith.constant 0 : i32
          %dma_wait3A_71 = tpu.memref_slice %arg8[%add3A_42, %dma_wait3A_70] : memref<40x128xi32, #tpu.memory_space<vmem>> -> memref<1x128xi32, #tpu.memory_space<vmem>>
          %dma_wait3A_72 = tpu.memref_squeeze %dma_wait3A_71 : memref<1x128xi32, #tpu.memory_space<vmem>> -> memref<128xi32, #tpu.memory_space<vmem>>
          %dma_wait3A_73 = arith.constant 0 : i32
          %dma_wait3A_74 = arith.constant 0 : i32
          %dma_wait3A_75 = tpu.memref_slice %arg11[%dma_wait3A_73, %dma_wait3A_74] : memref<10240x128xf32, #tpu.memory_space<vmem_shared>> -> memref<10240x128xf32, #tpu.memory_space<vmem_shared>>
          tpu.wait_indirect_dma semaphore(%run_scoped3A : memref<!tpu.dma_semaphore, #tpu.memory_space<semaphore_mem>>) src(%arg10 : memref<128x128xf32, #tpu.memory_space<vmem>>) dst(%dma_wait3A_75 : memref<10240x128xf32, #tpu.memory_space<vmem_shared>>)
          tpu.yield
        }) : () -> ()
      }
      %scan3A_35 = arith.constant 20 : i32
    } else {
    }
    %barrier3A_18 = arith.constant 0 : index
    tpu.barrier barrier_id(%barrier3A_18)
    %mul3A_19 = arith.constant 640 : i32
    %mul3A_20 = arith.muli %arg1, %mul3A_19 : i32
    %mul3A_21 = arith.constant 640 : i32
    %mul3A_22 = arith.muli %arg1, %mul3A_21 : i32
    "tpu.region"() ({
      %run_scoped3A = tpu.sem_alloc : memref<!tpu.dma_semaphore, #tpu.memory_space<semaphore_mem>>
      %dma_start3A = arith.constant 0 : i32
      %dma_start3A_23 = arith.constant 0 : i32
      %dma_start3A_24 = tpu.memref_slice %arg6[%arg0, %dma_start3A, %dma_start3A_23] : memref<2x10240x128xf32, #tpu.memory_space<hbm>> -> memref<1x10240x128xf32, #tpu.memory_space<hbm>>
      %dma_start3A_25 = tpu.memref_squeeze %dma_start3A_24 : memref<1x10240x128xf32, #tpu.memory_space<hbm>> -> memref<10240x128xf32, #tpu.memory_space<hbm>>
      %dma_start3A_26 = arith.constant 0 : i32
      %dma_start3A_27 = tpu.memref_slice %dma_start3A_25[%mul3A_22, %dma_start3A_26] : memref<10240x128xf32, #tpu.memory_space<hbm>> -> memref<640x128xf32, #tpu.memory_space<hbm>>
      %dma_start3A_28 = arith.constant 0 : i32
      %dma_start3A_29 = tpu.memref_slice %arg11[%mul3A_20, %dma_start3A_28] : memref<10240x128xf32, #tpu.memory_space<vmem_shared>> -> memref<640x128xf32, #tpu.memory_space<vmem_shared>>
      tpu.enqueue_dma source(%dma_start3A_29 : memref<640x128xf32, #tpu.memory_space<vmem_shared>>) target(%dma_start3A_27 : memref<640x128xf32, #tpu.memory_space<hbm>>) target_semaphore(%run_scoped3A : memref<!tpu.dma_semaphore, #tpu.memory_space<semaphore_mem>>)
      %dma_wait3A = arith.constant 0 : i32
      %dma_wait3A_30 = arith.constant 0 : i32
      %dma_wait3A_31 = tpu.memref_slice %arg6[%arg0, %dma_wait3A, %dma_wait3A_30] : memref<2x10240x128xf32, #tpu.memory_space<hbm>> -> memref<1x10240x128xf32, #tpu.memory_space<hbm>>
      %dma_wait3A_32 = tpu.memref_squeeze %dma_wait3A_31 : memref<1x10240x128xf32, #tpu.memory_space<hbm>> -> memref<10240x128xf32, #tpu.memory_space<hbm>>
      %dma_wait3A_33 = arith.constant 0 : i32
      %dma_wait3A_34 = tpu.memref_slice %dma_wait3A_32[%mul3A_22, %dma_wait3A_33] : memref<10240x128xf32, #tpu.memory_space<hbm>> -> memref<640x128xf32, #tpu.memory_space<hbm>>
      %dma_wait3A_35 = arith.constant 0 : i32
      %dma_wait3A_36 = tpu.memref_slice %arg11[%mul3A_20, %dma_wait3A_35] : memref<10240x128xf32, #tpu.memory_space<vmem_shared>> -> memref<640x128xf32, #tpu.memory_space<vmem_shared>>
      tpu.wait_dma2 semaphore(%run_scoped3A : memref<!tpu.dma_semaphore, #tpu.memory_space<semaphore_mem>>) src(%dma_wait3A_36 : memref<640x128xf32, #tpu.memory_space<vmem_shared>>) dst(%dma_wait3A_34 : memref<640x128xf32, #tpu.memory_space<hbm>>)
      tpu.yield
    }) : () -> ()
    return
  }
}

#map = affine_map<(d0, d1) -> (0, 0)>
#map1 = affine_map<(d0, d1) -> (0, 0, 0)>
module attributes {stable_mosaic.version = 14 : i64} {
  func.func @_agg_kernel(%arg0: i32, %arg1: i32, %arg2: memref<10000x128xf32, #tpu.memory_space<hbm>>, %arg3: memref<2560x128xi32, #tpu.memory_space<hbm>>, %arg4: memref<2560x128xi32, #tpu.memory_space<hbm>>, %arg5: memref<640x128xf32, #tpu.memory_space<hbm>>, %arg6: memref<2x10240x128xf32, #tpu.memory_space<hbm>>, %arg7: memref<40x128xi32, #tpu.memory_space<vmem>>, %arg8: memref<40x128xi32, #tpu.memory_space<vmem>>, %arg9: memref<128x128xf32, #tpu.memory_space<vmem>>, %arg10: memref<128x128xf32, #tpu.memory_space<vmem>>, %arg11: memref<10240x128xf32, #tpu.memory_space<vmem_shared>>, %arg12: memref<!tpu.dma_semaphore, #tpu.memory_space<semaphore_mem>>, %arg13: memref<!tpu.dma_semaphore, #tpu.memory_space<semaphore_mem>>) attributes {dimension_semantics = [#tpu.dimension_semantics<core_parallel>, #tpu.dimension_semantics<subcore_parallel>], iteration_bounds = array<i64: 2, 16>, scalar_prefetch = 0 : i64, scratch_operands = 7 : i64, tpu.core_type = #tpu.core_type<sc_vector_subcore>, window_params = [{transform_indices = #map}, {transform_indices = #map}, {transform_indices = #map}, {transform_indices = #map}, {transform_indices = #map1}]} {
    %eq3A = arith.constant 0 : i32
    %eq3A_0 = arith.cmpi eq, %arg0, %eq3A : i32
    %mul3A = arith.constant 80 : i32
    %mul3A_1 = arith.muli %arg1, %mul3A : i32
    %mul3A_2 = arith.constant 80 : i32
    %mul3A_3 = arith.muli %arg1, %mul3A_2 : i32
    %add3A = arith.constant 1280 : i32
    %add3A_4 = arith.addi %add3A, %mul3A_3 : i32
    %select_n3A = arith.select %eq3A_0, %mul3A_1, %add3A_4 : i32
    %eq3A_5 = arith.constant 0 : i32
    %eq3A_6 = arith.cmpi eq, %arg0, %eq3A_5 : i32
    %jit3A = arith.constant 2 : i32
    %jit3A_7 = arith.constant 2 : i32
    %select_n3A_8 = arith.select %eq3A_6, %jit3A, %jit3A_7 : i32
    %mul3A_9 = arith.constant 640 : i32
    %mul3A_10 = arith.muli %arg1, %mul3A_9 : i32
    "tpu.region"() ({
      %run_scoped3A = tpu.sem_alloc : memref<!tpu.dma_semaphore, #tpu.memory_space<semaphore_mem>>
      %dma_start3A = arith.constant 0 : i32
      %dma_start3A_23 = tpu.memref_slice %arg11[%mul3A_10, %dma_start3A] : memref<10240x128xf32, #tpu.memory_space<vmem_shared>> -> memref<640x128xf32, #tpu.memory_space<vmem_shared>>
      tpu.enqueue_dma source(%arg5 : memref<640x128xf32, #tpu.memory_space<hbm>>) target(%dma_start3A_23 : memref<640x128xf32, #tpu.memory_space<vmem_shared>>) target_semaphore(%run_scoped3A : memref<!tpu.dma_semaphore, #tpu.memory_space<semaphore_mem>>)
      %dma_wait3A = arith.constant 0 : i32
      %dma_wait3A_24 = tpu.memref_slice %arg11[%mul3A_10, %dma_wait3A] : memref<10240x128xf32, #tpu.memory_space<vmem_shared>> -> memref<640x128xf32, #tpu.memory_space<vmem_shared>>
      tpu.wait_dma2 semaphore(%run_scoped3A : memref<!tpu.dma_semaphore, #tpu.memory_space<semaphore_mem>>) src(%arg5 : memref<640x128xf32, #tpu.memory_space<hbm>>) dst(%dma_wait3A_24 : memref<640x128xf32, #tpu.memory_space<vmem_shared>>)
      tpu.yield
    }) : () -> ()
    %barrier3A = arith.constant 0 : index
    tpu.barrier barrier_id(%barrier3A)
    %gt3A = arith.constant 0 : i32
    %gt3A_11 = arith.cmpi sgt, %select_n3A_8, %gt3A : i32
    %convert_element_type3A = arith.extui %gt3A_11 : i1 to i32
    %cond3A = arith.constant 0 : i32
    %cond3A_12 = arith.cmpi ne, %convert_element_type3A, %cond3A : i32
    scf.if %cond3A_12 {
      %add3A_23 = arith.constant 0 : i32
      %add3A_24 = arith.addi %select_n3A, %add3A_23 : i32
      "tpu.region"() ({
        %run_scoped3A = tpu.sem_alloc : memref<!tpu.dma_semaphore, #tpu.memory_space<semaphore_mem>>
        %dma_start3A_36 = arith.constant 0 : i32
        %dma_start3A_37 = tpu.memref_slice %arg3[%add3A_24, %dma_start3A_36] : memref<2560x128xi32, #tpu.memory_space<hbm>> -> memref<40x128xi32, #tpu.memory_space<hbm>>
        %dma_start3A_38 = arith.constant 0 : i32
        %dma_start3A_39 = tpu.memref_slice %arg3[%add3A_24, %dma_start3A_38] : memref<2560x128xi32, #tpu.memory_space<hbm>> -> memref<40x128xi32, #tpu.memory_space<hbm>>
        tpu.enqueue_dma source(%dma_start3A_39 : memref<40x128xi32, #tpu.memory_space<hbm>>) target(%arg7 : memref<40x128xi32, #tpu.memory_space<vmem>>) target_semaphore(%run_scoped3A : memref<!tpu.dma_semaphore, #tpu.memory_space<semaphore_mem>>)
        %dma_wait3A = arith.constant 0 : i32
        %dma_wait3A_40 = tpu.memref_slice %arg3[%add3A_24, %dma_wait3A] : memref<2560x128xi32, #tpu.memory_space<hbm>> -> memref<40x128xi32, #tpu.memory_space<hbm>>
        %dma_wait3A_41 = arith.constant 0 : i32
        %dma_wait3A_42 = tpu.memref_slice %arg3[%add3A_24, %dma_wait3A_41] : memref<2560x128xi32, #tpu.memory_space<hbm>> -> memref<40x128xi32, #tpu.memory_space<hbm>>
        tpu.wait_dma2 semaphore(%run_scoped3A : memref<!tpu.dma_semaphore, #tpu.memory_space<semaphore_mem>>) src(%dma_wait3A_42 : memref<40x128xi32, #tpu.memory_space<hbm>>) dst(%arg7 : memref<40x128xi32, #tpu.memory_space<vmem>>)
        tpu.yield
      }) : () -> ()
      "tpu.region"() ({
        %run_scoped3A = tpu.sem_alloc : memref<!tpu.dma_semaphore, #tpu.memory_space<semaphore_mem>>
        %dma_start3A_36 = arith.constant 0 : i32
        %dma_start3A_37 = tpu.memref_slice %arg4[%add3A_24, %dma_start3A_36] : memref<2560x128xi32, #tpu.memory_space<hbm>> -> memref<40x128xi32, #tpu.memory_space<hbm>>
        %dma_start3A_38 = arith.constant 0 : i32
        %dma_start3A_39 = tpu.memref_slice %arg4[%add3A_24, %dma_start3A_38] : memref<2560x128xi32, #tpu.memory_space<hbm>> -> memref<40x128xi32, #tpu.memory_space<hbm>>
        tpu.enqueue_dma source(%dma_start3A_39 : memref<40x128xi32, #tpu.memory_space<hbm>>) target(%arg8 : memref<40x128xi32, #tpu.memory_space<vmem>>) target_semaphore(%run_scoped3A : memref<!tpu.dma_semaphore, #tpu.memory_space<semaphore_mem>>)
        %dma_wait3A = arith.constant 0 : i32
        %dma_wait3A_40 = tpu.memref_slice %arg4[%add3A_24, %dma_wait3A] : memref<2560x128xi32, #tpu.memory_space<hbm>> -> memref<40x128xi32, #tpu.memory_space<hbm>>
        %dma_wait3A_41 = arith.constant 0 : i32
        %dma_wait3A_42 = tpu.memref_slice %arg4[%add3A_24, %dma_wait3A_41] : memref<2560x128xi32, #tpu.memory_space<hbm>> -> memref<40x128xi32, #tpu.memory_space<hbm>>
        tpu.wait_dma2 semaphore(%run_scoped3A : memref<!tpu.dma_semaphore, #tpu.memory_space<semaphore_mem>>) src(%dma_wait3A_42 : memref<40x128xi32, #tpu.memory_space<hbm>>) dst(%arg8 : memref<40x128xi32, #tpu.memory_space<vmem>>)
        tpu.yield
      }) : () -> ()
      %dma_start3A = arith.constant 0 : i32
      %dma_start3A_25 = arith.constant 0 : i32
      %dma_start3A_26 = tpu.memref_slice %arg7[%dma_start3A, %dma_start3A_25] : memref<40x128xi32, #tpu.memory_space<vmem>> -> memref<1x128xi32, #tpu.memory_space<vmem>>
      %dma_start3A_27 = tpu.memref_squeeze %dma_start3A_26 : memref<1x128xi32, #tpu.memory_space<vmem>> -> memref<128xi32, #tpu.memory_space<vmem>>
      %dma_start3A_28 = arith.constant 0 : i32
      %dma_start3A_29 = arith.constant 0 : i32
      %dma_start3A_30 = tpu.memref_slice %arg2[%dma_start3A_28, %dma_start3A_29] : memref<10000x128xf32, #tpu.memory_space<hbm>> -> memref<10000x128xf32, #tpu.memory_space<hbm>>
      tpu.enqueue_indirect_dma source(%dma_start3A_30 : memref<10000x128xf32, #tpu.memory_space<hbm>>) target(%arg9 : memref<128x128xf32, #tpu.memory_space<vmem>>) offsets(%dma_start3A_27 : memref<128xi32, #tpu.memory_space<vmem>>) semaphore(%arg12 : memref<!tpu.dma_semaphore, #tpu.memory_space<semaphore_mem>>)
      %scan3A = arith.constant 0 : i32
      %scan3A_31 = arith.constant 0 : i32
      %scan3A_32 = arith.constant 20 : i32
      %scan3A_33 = arith.addi %scan3A_31, %scan3A_32 : i32
      %scan3A_34 = arith.constant 1 : i32
      scf.for %scan3A_36 = %scan3A_31 to %scan3A_33 step %scan3A_34  : i32 {
        %mul3A_37 = arith.constant 2 : i32
        %mul3A_38 = arith.muli %mul3A_37, %scan3A_36 : i32
        %mul3A_39 = arith.constant 2 : i32
        %mul3A_40 = arith.muli %mul3A_39, %scan3A_36 : i32
        %add3A_41 = arith.constant 1 : i32
        %add3A_42 = arith.addi %mul3A_40, %add3A_41 : i32
        %dma_start3A_43 = arith.constant 0 : i32
        %dma_start3A_44 = tpu.memref_slice %arg7[%add3A_42, %dma_start3A_43] : memref<40x128xi32, #tpu.memory_space<vmem>> -> memref<1x128xi32, #tpu.memory_space<vmem>>
        %dma_start3A_45 = tpu.memref_squeeze %dma_start3A_44 : memref<1x128xi32, #tpu.memory_space<vmem>> -> memref<128xi32, #tpu.memory_space<vmem>>
        %dma_start3A_46 = arith.constant 0 : i32
        %dma_start3A_47 = arith.constant 0 : i32
        %dma_start3A_48 = tpu.memref_slice %arg2[%dma_start3A_46, %dma_start3A_47] : memref<10000x128xf32, #tpu.memory_space<hbm>> -> memref<10000x128xf32, #tpu.memory_space<hbm>>
        tpu.enqueue_indirect_dma source(%dma_start3A_48 : memref<10000x128xf32, #tpu.memory_space<hbm>>) target(%arg10 : memref<128x128xf32, #tpu.memory_space<vmem>>) offsets(%dma_start3A_45 : memref<128xi32, #tpu.memory_space<vmem>>) semaphore(%arg13 : memref<!tpu.dma_semaphore, #tpu.memory_space<semaphore_mem>>)
        %dma_wait3A = arith.constant 0 : i32
        %dma_wait3A_49 = arith.constant 0 : i32
        %dma_wait3A_50 = tpu.memref_slice %arg2[%dma_wait3A, %dma_wait3A_49] : memref<10000x128xf32, #tpu.memory_space<hbm>> -> memref<128x128xf32, #tpu.memory_space<hbm>>
        %dma_wait3A_51 = arith.constant 0 : i32
        %dma_wait3A_52 = arith.constant 0 : i32
        %dma_wait3A_53 = tpu.memref_slice %arg2[%dma_wait3A_51, %dma_wait3A_52] : memref<10000x128xf32, #tpu.memory_space<hbm>> -> memref<128x128xf32, #tpu.memory_space<hbm>>
        tpu.wait_dma2 semaphore(%arg12 : memref<!tpu.dma_semaphore, #tpu.memory_space<semaphore_mem>>) src(%dma_wait3A_53 : memref<128x128xf32, #tpu.memory_space<hbm>>) dst(%arg9 : memref<128x128xf32, #tpu.memory_space<vmem>>)
        "tpu.region"() ({
          %run_scoped3A = tpu.sem_alloc : memref<!tpu.dma_semaphore, #tpu.memory_space<semaphore_mem>>
          %dma_start3A_64 = arith.constant 0 : i32
          %dma_start3A_65 = tpu.memref_slice %arg8[%mul3A_38, %dma_start3A_64] : memref<40x128xi32, #tpu.memory_space<vmem>> -> memref<1x128xi32, #tpu.memory_space<vmem>>
          %dma_start3A_66 = tpu.memref_squeeze %dma_start3A_65 : memref<1x128xi32, #tpu.memory_space<vmem>> -> memref<128xi32, #tpu.memory_space<vmem>>
          %dma_start3A_67 = arith.constant 0 : i32
          %dma_start3A_68 = arith.constant 0 : i32
          %dma_start3A_69 = tpu.memref_slice %arg11[%dma_start3A_67, %dma_start3A_68] : memref<10240x128xf32, #tpu.memory_space<vmem_shared>> -> memref<10240x128xf32, #tpu.memory_space<vmem_shared>>
          tpu.enqueue_indirect_dma source(%arg9 : memref<128x128xf32, #tpu.memory_space<vmem>>) target(%dma_start3A_69 : memref<10240x128xf32, #tpu.memory_space<vmem_shared>>) offsets(%dma_start3A_66 : memref<128xi32, #tpu.memory_space<vmem>>) semaphore(%run_scoped3A : memref<!tpu.dma_semaphore, #tpu.memory_space<semaphore_mem>>) {add = true}
          %dma_wait3A_70 = arith.constant 0 : i32
          %dma_wait3A_71 = tpu.memref_slice %arg8[%mul3A_38, %dma_wait3A_70] : memref<40x128xi32, #tpu.memory_space<vmem>> -> memref<1x128xi32, #tpu.memory_space<vmem>>
          %dma_wait3A_72 = tpu.memref_squeeze %dma_wait3A_71 : memref<1x128xi32, #tpu.memory_space<vmem>> -> memref<128xi32, #tpu.memory_space<vmem>>
          %dma_wait3A_73 = arith.constant 0 : i32
          %dma_wait3A_74 = arith.constant 0 : i32
          %dma_wait3A_75 = tpu.memref_slice %arg11[%dma_wait3A_73, %dma_wait3A_74] : memref<10240x128xf32, #tpu.memory_space<vmem_shared>> -> memref<10240x128xf32, #tpu.memory_space<vmem_shared>>
          tpu.wait_indirect_dma semaphore(%run_scoped3A : memref<!tpu.dma_semaphore, #tpu.memory_space<semaphore_mem>>) src(%arg9 : memref<128x128xf32, #tpu.memory_space<vmem>>) dst(%dma_wait3A_75 : memref<10240x128xf32, #tpu.memory_space<vmem_shared>>)
          tpu.yield
        }) : () -> ()
        %lt3A = arith.constant 19 : i32
        %lt3A_54 = arith.cmpi slt, %scan3A_36, %lt3A : i32
        %convert_element_type3A_55 = arith.extui %lt3A_54 : i1 to i32
        %cond3A_56 = arith.constant 0 : i32
        %cond3A_57 = arith.cmpi ne, %convert_element_type3A_55, %cond3A_56 : i32
        scf.if %cond3A_57 {
          %add3A_64 = arith.constant 2 : i32
          %add3A_65 = arith.addi %mul3A_38, %add3A_64 : i32
          %dma_start3A_66 = arith.constant 0 : i32
          %dma_start3A_67 = tpu.memref_slice %arg7[%add3A_65, %dma_start3A_66] : memref<40x128xi32, #tpu.memory_space<vmem>> -> memref<1x128xi32, #tpu.memory_space<vmem>>
          %dma_start3A_68 = tpu.memref_squeeze %dma_start3A_67 : memref<1x128xi32, #tpu.memory_space<vmem>> -> memref<128xi32, #tpu.memory_space<vmem>>
          %dma_start3A_69 = arith.constant 0 : i32
          %dma_start3A_70 = arith.constant 0 : i32
          %dma_start3A_71 = tpu.memref_slice %arg2[%dma_start3A_69, %dma_start3A_70] : memref<10000x128xf32, #tpu.memory_space<hbm>> -> memref<10000x128xf32, #tpu.memory_space<hbm>>
          tpu.enqueue_indirect_dma source(%dma_start3A_71 : memref<10000x128xf32, #tpu.memory_space<hbm>>) target(%arg9 : memref<128x128xf32, #tpu.memory_space<vmem>>) offsets(%dma_start3A_68 : memref<128xi32, #tpu.memory_space<vmem>>) semaphore(%arg12 : memref<!tpu.dma_semaphore, #tpu.memory_space<semaphore_mem>>)
        } else {
        }
        %dma_wait3A_58 = arith.constant 0 : i32
        %dma_wait3A_59 = arith.constant 0 : i32
        %dma_wait3A_60 = tpu.memref_slice %arg2[%dma_wait3A_58, %dma_wait3A_59] : memref<10000x128xf32, #tpu.memory_space<hbm>> -> memref<128x128xf32, #tpu.memory_space<hbm>>
        %dma_wait3A_61 = arith.constant 0 : i32
        %dma_wait3A_62 = arith.constant 0 : i32
        %dma_wait3A_63 = tpu.memref_slice %arg2[%dma_wait3A_61, %dma_wait3A_62] : memref<10000x128xf32, #tpu.memory_space<hbm>> -> memref<128x128xf32, #tpu.memory_space<hbm>>
        tpu.wait_dma2 semaphore(%arg13 : memref<!tpu.dma_semaphore, #tpu.memory_space<semaphore_mem>>) src(%dma_wait3A_63 : memref<128x128xf32, #tpu.memory_space<hbm>>) dst(%arg9 : memref<128x128xf32, #tpu.memory_space<vmem>>)
        "tpu.region"() ({
          %run_scoped3A = tpu.sem_alloc : memref<!tpu.dma_semaphore, #tpu.memory_space<semaphore_mem>>
          %dma_start3A_64 = arith.constant 0 : i32
          %dma_start3A_65 = tpu.memref_slice %arg8[%add3A_42, %dma_start3A_64] : memref<40x128xi32, #tpu.memory_space<vmem>> -> memref<1x128xi32, #tpu.memory_space<vmem>>
          %dma_start3A_66 = tpu.memref_squeeze %dma_start3A_65 : memref<1x128xi32, #tpu.memory_space<vmem>> -> memref<128xi32, #tpu.memory_space<vmem>>
          %dma_start3A_67 = arith.constant 0 : i32
          %dma_start3A_68 = arith.constant 0 : i32
          %dma_start3A_69 = tpu.memref_slice %arg11[%dma_start3A_67, %dma_start3A_68] : memref<10240x128xf32, #tpu.memory_space<vmem_shared>> -> memref<10240x128xf32, #tpu.memory_space<vmem_shared>>
          tpu.enqueue_indirect_dma source(%arg10 : memref<128x128xf32, #tpu.memory_space<vmem>>) target(%dma_start3A_69 : memref<10240x128xf32, #tpu.memory_space<vmem_shared>>) offsets(%dma_start3A_66 : memref<128xi32, #tpu.memory_space<vmem>>) semaphore(%run_scoped3A : memref<!tpu.dma_semaphore, #tpu.memory_space<semaphore_mem>>) {add = true}
          %dma_wait3A_70 = arith.constant 0 : i32
          %dma_wait3A_71 = tpu.memref_slice %arg8[%add3A_42, %dma_wait3A_70] : memref<40x128xi32, #tpu.memory_space<vmem>> -> memref<1x128xi32, #tpu.memory_space<vmem>>
          %dma_wait3A_72 = tpu.memref_squeeze %dma_wait3A_71 : memref<1x128xi32, #tpu.memory_space<vmem>> -> memref<128xi32, #tpu.memory_space<vmem>>
          %dma_wait3A_73 = arith.constant 0 : i32
          %dma_wait3A_74 = arith.constant 0 : i32
          %dma_wait3A_75 = tpu.memref_slice %arg11[%dma_wait3A_73, %dma_wait3A_74] : memref<10240x128xf32, #tpu.memory_space<vmem_shared>> -> memref<10240x128xf32, #tpu.memory_space<vmem_shared>>
          tpu.wait_indirect_dma semaphore(%run_scoped3A : memref<!tpu.dma_semaphore, #tpu.memory_space<semaphore_mem>>) src(%arg10 : memref<128x128xf32, #tpu.memory_space<vmem>>) dst(%dma_wait3A_75 : memref<10240x128xf32, #tpu.memory_space<vmem_shared>>)
          tpu.yield
        }) : () -> ()
      }
      %scan3A_35 = arith.constant 20 : i32
    } else {
    }
    %gt3A_13 = arith.constant 1 : i32
    %gt3A_14 = arith.cmpi sgt, %select_n3A_8, %gt3A_13 : i32
    %convert_element_type3A_15 = arith.extui %gt3A_14 : i1 to i32
    %cond3A_16 = arith.constant 0 : i32
    %cond3A_17 = arith.cmpi ne, %convert_element_type3A_15, %cond3A_16 : i32
    scf.if %cond3A_17 {
      %add3A_23 = arith.constant 40 : i32
      %add3A_24 = arith.addi %select_n3A, %add3A_23 : i32
      "tpu.region"() ({
        %run_scoped3A = tpu.sem_alloc : memref<!tpu.dma_semaphore, #tpu.memory_space<semaphore_mem>>
        %dma_start3A_36 = arith.constant 0 : i32
        %dma_start3A_37 = tpu.memref_slice %arg3[%add3A_24, %dma_start3A_36] : memref<2560x128xi32, #tpu.memory_space<hbm>> -> memref<40x128xi32, #tpu.memory_space<hbm>>
        %dma_start3A_38 = arith.constant 0 : i32
        %dma_start3A_39 = tpu.memref_slice %arg3[%add3A_24, %dma_start3A_38] : memref<2560x128xi32, #tpu.memory_space<hbm>> -> memref<40x128xi32, #tpu.memory_space<hbm>>
        tpu.enqueue_dma source(%dma_start3A_39 : memref<40x128xi32, #tpu.memory_space<hbm>>) target(%arg7 : memref<40x128xi32, #tpu.memory_space<vmem>>) target_semaphore(%run_scoped3A : memref<!tpu.dma_semaphore, #tpu.memory_space<semaphore_mem>>)
        %dma_wait3A = arith.constant 0 : i32
        %dma_wait3A_40 = tpu.memref_slice %arg3[%add3A_24, %dma_wait3A] : memref<2560x128xi32, #tpu.memory_space<hbm>> -> memref<40x128xi32, #tpu.memory_space<hbm>>
        %dma_wait3A_41 = arith.constant 0 : i32
        %dma_wait3A_42 = tpu.memref_slice %arg3[%add3A_24, %dma_wait3A_41] : memref<2560x128xi32, #tpu.memory_space<hbm>> -> memref<40x128xi32, #tpu.memory_space<hbm>>
        tpu.wait_dma2 semaphore(%run_scoped3A : memref<!tpu.dma_semaphore, #tpu.memory_space<semaphore_mem>>) src(%dma_wait3A_42 : memref<40x128xi32, #tpu.memory_space<hbm>>) dst(%arg7 : memref<40x128xi32, #tpu.memory_space<vmem>>)
        tpu.yield
      }) : () -> ()
      "tpu.region"() ({
        %run_scoped3A = tpu.sem_alloc : memref<!tpu.dma_semaphore, #tpu.memory_space<semaphore_mem>>
        %dma_start3A_36 = arith.constant 0 : i32
        %dma_start3A_37 = tpu.memref_slice %arg4[%add3A_24, %dma_start3A_36] : memref<2560x128xi32, #tpu.memory_space<hbm>> -> memref<40x128xi32, #tpu.memory_space<hbm>>
        %dma_start3A_38 = arith.constant 0 : i32
        %dma_start3A_39 = tpu.memref_slice %arg4[%add3A_24, %dma_start3A_38] : memref<2560x128xi32, #tpu.memory_space<hbm>> -> memref<40x128xi32, #tpu.memory_space<hbm>>
        tpu.enqueue_dma source(%dma_start3A_39 : memref<40x128xi32, #tpu.memory_space<hbm>>) target(%arg8 : memref<40x128xi32, #tpu.memory_space<vmem>>) target_semaphore(%run_scoped3A : memref<!tpu.dma_semaphore, #tpu.memory_space<semaphore_mem>>)
        %dma_wait3A = arith.constant 0 : i32
        %dma_wait3A_40 = tpu.memref_slice %arg4[%add3A_24, %dma_wait3A] : memref<2560x128xi32, #tpu.memory_space<hbm>> -> memref<40x128xi32, #tpu.memory_space<hbm>>
        %dma_wait3A_41 = arith.constant 0 : i32
        %dma_wait3A_42 = tpu.memref_slice %arg4[%add3A_24, %dma_wait3A_41] : memref<2560x128xi32, #tpu.memory_space<hbm>> -> memref<40x128xi32, #tpu.memory_space<hbm>>
        tpu.wait_dma2 semaphore(%run_scoped3A : memref<!tpu.dma_semaphore, #tpu.memory_space<semaphore_mem>>) src(%dma_wait3A_42 : memref<40x128xi32, #tpu.memory_space<hbm>>) dst(%arg8 : memref<40x128xi32, #tpu.memory_space<vmem>>)
        tpu.yield
      }) : () -> ()
      %dma_start3A = arith.constant 0 : i32
      %dma_start3A_25 = arith.constant 0 : i32
      %dma_start3A_26 = tpu.memref_slice %arg7[%dma_start3A, %dma_start3A_25] : memref<40x128xi32, #tpu.memory_space<vmem>> -> memref<1x128xi32, #tpu.memory_space<vmem>>
      %dma_start3A_27 = tpu.memref_squeeze %dma_start3A_26 : memref<1x128xi32, #tpu.memory_space<vmem>> -> memref<128xi32, #tpu.memory_space<vmem>>
      %dma_start3A_28 = arith.constant 0 : i32
      %dma_start3A_29 = arith.constant 0 : i32
      %dma_start3A_30 = tpu.memref_slice %arg2[%dma_start3A_28, %dma_start3A_29] : memref<10000x128xf32, #tpu.memory_space<hbm>> -> memref<10000x128xf32, #tpu.memory_space<hbm>>
      tpu.enqueue_indirect_dma source(%dma_start3A_30 : memref<10000x128xf32, #tpu.memory_space<hbm>>) target(%arg9 : memref<128x128xf32, #tpu.memory_space<vmem>>) offsets(%dma_start3A_27 : memref<128xi32, #tpu.memory_space<vmem>>) semaphore(%arg12 : memref<!tpu.dma_semaphore, #tpu.memory_space<semaphore_mem>>)
      %scan3A = arith.constant 0 : i32
      %scan3A_31 = arith.constant 0 : i32
      %scan3A_32 = arith.constant 20 : i32
      %scan3A_33 = arith.addi %scan3A_31, %scan3A_32 : i32
      %scan3A_34 = arith.constant 1 : i32
      scf.for %scan3A_36 = %scan3A_31 to %scan3A_33 step %scan3A_34  : i32 {
        %mul3A_37 = arith.constant 2 : i32
        %mul3A_38 = arith.muli %mul3A_37, %scan3A_36 : i32
        %mul3A_39 = arith.constant 2 : i32
        %mul3A_40 = arith.muli %mul3A_39, %scan3A_36 : i32
        %add3A_41 = arith.constant 1 : i32
        %add3A_42 = arith.addi %mul3A_40, %add3A_41 : i32
        %dma_start3A_43 = arith.constant 0 : i32
        %dma_start3A_44 = tpu.memref_slice %arg7[%add3A_42, %dma_start3A_43] : memref<40x128xi32, #tpu.memory_space<vmem>> -> memref<1x128xi32, #tpu.memory_space<vmem>>
        %dma_start3A_45 = tpu.memref_squeeze %dma_start3A_44 : memref<1x128xi32, #tpu.memory_space<vmem>> -> memref<128xi32, #tpu.memory_space<vmem>>
        %dma_start3A_46 = arith.constant 0 : i32
        %dma_start3A_47 = arith.constant 0 : i32
        %dma_start3A_48 = tpu.memref_slice %arg2[%dma_start3A_46, %dma_start3A_47] : memref<10000x128xf32, #tpu.memory_space<hbm>> -> memref<10000x128xf32, #tpu.memory_space<hbm>>
        tpu.enqueue_indirect_dma source(%dma_start3A_48 : memref<10000x128xf32, #tpu.memory_space<hbm>>) target(%arg10 : memref<128x128xf32, #tpu.memory_space<vmem>>) offsets(%dma_start3A_45 : memref<128xi32, #tpu.memory_space<vmem>>) semaphore(%arg13 : memref<!tpu.dma_semaphore, #tpu.memory_space<semaphore_mem>>)
        %dma_wait3A = arith.constant 0 : i32
        %dma_wait3A_49 = arith.constant 0 : i32
        %dma_wait3A_50 = tpu.memref_slice %arg2[%dma_wait3A, %dma_wait3A_49] : memref<10000x128xf32, #tpu.memory_space<hbm>> -> memref<128x128xf32, #tpu.memory_space<hbm>>
        %dma_wait3A_51 = arith.constant 0 : i32
        %dma_wait3A_52 = arith.constant 0 : i32
        %dma_wait3A_53 = tpu.memref_slice %arg2[%dma_wait3A_51, %dma_wait3A_52] : memref<10000x128xf32, #tpu.memory_space<hbm>> -> memref<128x128xf32, #tpu.memory_space<hbm>>
        tpu.wait_dma2 semaphore(%arg12 : memref<!tpu.dma_semaphore, #tpu.memory_space<semaphore_mem>>) src(%dma_wait3A_53 : memref<128x128xf32, #tpu.memory_space<hbm>>) dst(%arg9 : memref<128x128xf32, #tpu.memory_space<vmem>>)
        "tpu.region"() ({
          %run_scoped3A = tpu.sem_alloc : memref<!tpu.dma_semaphore, #tpu.memory_space<semaphore_mem>>
          %dma_start3A_64 = arith.constant 0 : i32
          %dma_start3A_65 = tpu.memref_slice %arg8[%mul3A_38, %dma_start3A_64] : memref<40x128xi32, #tpu.memory_space<vmem>> -> memref<1x128xi32, #tpu.memory_space<vmem>>
          %dma_start3A_66 = tpu.memref_squeeze %dma_start3A_65 : memref<1x128xi32, #tpu.memory_space<vmem>> -> memref<128xi32, #tpu.memory_space<vmem>>
          %dma_start3A_67 = arith.constant 0 : i32
          %dma_start3A_68 = arith.constant 0 : i32
          %dma_start3A_69 = tpu.memref_slice %arg11[%dma_start3A_67, %dma_start3A_68] : memref<10240x128xf32, #tpu.memory_space<vmem_shared>> -> memref<10240x128xf32, #tpu.memory_space<vmem_shared>>
          tpu.enqueue_indirect_dma source(%arg9 : memref<128x128xf32, #tpu.memory_space<vmem>>) target(%dma_start3A_69 : memref<10240x128xf32, #tpu.memory_space<vmem_shared>>) offsets(%dma_start3A_66 : memref<128xi32, #tpu.memory_space<vmem>>) semaphore(%run_scoped3A : memref<!tpu.dma_semaphore, #tpu.memory_space<semaphore_mem>>) {add = true}
          %dma_wait3A_70 = arith.constant 0 : i32
          %dma_wait3A_71 = tpu.memref_slice %arg8[%mul3A_38, %dma_wait3A_70] : memref<40x128xi32, #tpu.memory_space<vmem>> -> memref<1x128xi32, #tpu.memory_space<vmem>>
          %dma_wait3A_72 = tpu.memref_squeeze %dma_wait3A_71 : memref<1x128xi32, #tpu.memory_space<vmem>> -> memref<128xi32, #tpu.memory_space<vmem>>
          %dma_wait3A_73 = arith.constant 0 : i32
          %dma_wait3A_74 = arith.constant 0 : i32
          %dma_wait3A_75 = tpu.memref_slice %arg11[%dma_wait3A_73, %dma_wait3A_74] : memref<10240x128xf32, #tpu.memory_space<vmem_shared>> -> memref<10240x128xf32, #tpu.memory_space<vmem_shared>>
          tpu.wait_indirect_dma semaphore(%run_scoped3A : memref<!tpu.dma_semaphore, #tpu.memory_space<semaphore_mem>>) src(%arg9 : memref<128x128xf32, #tpu.memory_space<vmem>>) dst(%dma_wait3A_75 : memref<10240x128xf32, #tpu.memory_space<vmem_shared>>)
          tpu.yield
        }) : () -> ()
        %lt3A = arith.constant 19 : i32
        %lt3A_54 = arith.cmpi slt, %scan3A_36, %lt3A : i32
        %convert_element_type3A_55 = arith.extui %lt3A_54 : i1 to i32
        %cond3A_56 = arith.constant 0 : i32
        %cond3A_57 = arith.cmpi ne, %convert_element_type3A_55, %cond3A_56 : i32
        scf.if %cond3A_57 {
          %add3A_64 = arith.constant 2 : i32
          %add3A_65 = arith.addi %mul3A_38, %add3A_64 : i32
          %dma_start3A_66 = arith.constant 0 : i32
          %dma_start3A_67 = tpu.memref_slice %arg7[%add3A_65, %dma_start3A_66] : memref<40x128xi32, #tpu.memory_space<vmem>> -> memref<1x128xi32, #tpu.memory_space<vmem>>
          %dma_start3A_68 = tpu.memref_squeeze %dma_start3A_67 : memref<1x128xi32, #tpu.memory_space<vmem>> -> memref<128xi32, #tpu.memory_space<vmem>>
          %dma_start3A_69 = arith.constant 0 : i32
          %dma_start3A_70 = arith.constant 0 : i32
          %dma_start3A_71 = tpu.memref_slice %arg2[%dma_start3A_69, %dma_start3A_70] : memref<10000x128xf32, #tpu.memory_space<hbm>> -> memref<10000x128xf32, #tpu.memory_space<hbm>>
          tpu.enqueue_indirect_dma source(%dma_start3A_71 : memref<10000x128xf32, #tpu.memory_space<hbm>>) target(%arg9 : memref<128x128xf32, #tpu.memory_space<vmem>>) offsets(%dma_start3A_68 : memref<128xi32, #tpu.memory_space<vmem>>) semaphore(%arg12 : memref<!tpu.dma_semaphore, #tpu.memory_space<semaphore_mem>>)
        } else {
        }
        %dma_wait3A_58 = arith.constant 0 : i32
        %dma_wait3A_59 = arith.constant 0 : i32
        %dma_wait3A_60 = tpu.memref_slice %arg2[%dma_wait3A_58, %dma_wait3A_59] : memref<10000x128xf32, #tpu.memory_space<hbm>> -> memref<128x128xf32, #tpu.memory_space<hbm>>
        %dma_wait3A_61 = arith.constant 0 : i32
        %dma_wait3A_62 = arith.constant 0 : i32
        %dma_wait3A_63 = tpu.memref_slice %arg2[%dma_wait3A_61, %dma_wait3A_62] : memref<10000x128xf32, #tpu.memory_space<hbm>> -> memref<128x128xf32, #tpu.memory_space<hbm>>
        tpu.wait_dma2 semaphore(%arg13 : memref<!tpu.dma_semaphore, #tpu.memory_space<semaphore_mem>>) src(%dma_wait3A_63 : memref<128x128xf32, #tpu.memory_space<hbm>>) dst(%arg9 : memref<128x128xf32, #tpu.memory_space<vmem>>)
        "tpu.region"() ({
          %run_scoped3A = tpu.sem_alloc : memref<!tpu.dma_semaphore, #tpu.memory_space<semaphore_mem>>
          %dma_start3A_64 = arith.constant 0 : i32
          %dma_start3A_65 = tpu.memref_slice %arg8[%add3A_42, %dma_start3A_64] : memref<40x128xi32, #tpu.memory_space<vmem>> -> memref<1x128xi32, #tpu.memory_space<vmem>>
          %dma_start3A_66 = tpu.memref_squeeze %dma_start3A_65 : memref<1x128xi32, #tpu.memory_space<vmem>> -> memref<128xi32, #tpu.memory_space<vmem>>
          %dma_start3A_67 = arith.constant 0 : i32
          %dma_start3A_68 = arith.constant 0 : i32
          %dma_start3A_69 = tpu.memref_slice %arg11[%dma_start3A_67, %dma_start3A_68] : memref<10240x128xf32, #tpu.memory_space<vmem_shared>> -> memref<10240x128xf32, #tpu.memory_space<vmem_shared>>
          tpu.enqueue_indirect_dma source(%arg10 : memref<128x128xf32, #tpu.memory_space<vmem>>) target(%dma_start3A_69 : memref<10240x128xf32, #tpu.memory_space<vmem_shared>>) offsets(%dma_start3A_66 : memref<128xi32, #tpu.memory_space<vmem>>) semaphore(%run_scoped3A : memref<!tpu.dma_semaphore, #tpu.memory_space<semaphore_mem>>) {add = true}
          %dma_wait3A_70 = arith.constant 0 : i32
          %dma_wait3A_71 = tpu.memref_slice %arg8[%add3A_42, %dma_wait3A_70] : memref<40x128xi32, #tpu.memory_space<vmem>> -> memref<1x128xi32, #tpu.memory_space<vmem>>
          %dma_wait3A_72 = tpu.memref_squeeze %dma_wait3A_71 : memref<1x128xi32, #tpu.memory_space<vmem>> -> memref<128xi32, #tpu.memory_space<vmem>>
          %dma_wait3A_73 = arith.constant 0 : i32
          %dma_wait3A_74 = arith.constant 0 : i32
          %dma_wait3A_75 = tpu.memref_slice %arg11[%dma_wait3A_73, %dma_wait3A_74] : memref<10240x128xf32, #tpu.memory_space<vmem_shared>> -> memref<10240x128xf32, #tpu.memory_space<vmem_shared>>
          tpu.wait_indirect_dma semaphore(%run_scoped3A : memref<!tpu.dma_semaphore, #tpu.memory_space<semaphore_mem>>) src(%arg10 : memref<128x128xf32, #tpu.memory_space<vmem>>) dst(%dma_wait3A_75 : memref<10240x128xf32, #tpu.memory_space<vmem_shared>>)
          tpu.yield
        }) : () -> ()
      }
      %scan3A_35 = arith.constant 20 : i32
    } else {
    }
    %barrier3A_18 = arith.constant 0 : index
    tpu.barrier barrier_id(%barrier3A_18)
    %mul3A_19 = arith.constant 640 : i32
    %mul3A_20 = arith.muli %arg1, %mul3A_19 : i32
    %mul3A_21 = arith.constant 640 : i32
    %mul3A_22 = arith.muli %arg1, %mul3A_21 : i32
    "tpu.region"() ({
      %run_scoped3A = tpu.sem_alloc : memref<!tpu.dma_semaphore, #tpu.memory_space<semaphore_mem>>
      %dma_start3A = arith.constant 0 : i32
      %dma_start3A_23 = arith.constant 0 : i32
      %dma_start3A_24 = tpu.memref_slice %arg6[%arg0, %dma_start3A, %dma_start3A_23] : memref<2x10240x128xf32, #tpu.memory_space<hbm>> -> memref<1x10240x128xf32, #tpu.memory_space<hbm>>
      %dma_start3A_25 = tpu.memref_squeeze %dma_start3A_24 : memref<1x10240x128xf32, #tpu.memory_space<hbm>> -> memref<10240x128xf32, #tpu.memory_space<hbm>>
      %dma_start3A_26 = arith.constant 0 : i32
      %dma_start3A_27 = tpu.memref_slice %dma_start3A_25[%mul3A_22, %dma_start3A_26] : memref<10240x128xf32, #tpu.memory_space<hbm>> -> memref<640x128xf32, #tpu.memory_space<hbm>>
      %dma_start3A_28 = arith.constant 0 : i32
      %dma_start3A_29 = tpu.memref_slice %arg11[%mul3A_20, %dma_start3A_28] : memref<10240x128xf32, #tpu.memory_space<vmem_shared>> -> memref<640x128xf32, #tpu.memory_space<vmem_shared>>
      tpu.enqueue_dma source(%dma_start3A_29 : memref<640x128xf32, #tpu.memory_space<vmem_shared>>) target(%dma_start3A_27 : memref<640x128xf32, #tpu.memory_space<hbm>>) target_semaphore(%run_scoped3A : memref<!tpu.dma_semaphore, #tpu.memory_space<semaphore_mem>>)
      %dma_wait3A = arith.constant 0 : i32
      %dma_wait3A_30 = arith.constant 0 : i32
      %dma_wait3A_31 = tpu.memref_slice %arg6[%arg0, %dma_wait3A, %dma_wait3A_30] : memref<2x10240x128xf32, #tpu.memory_space<hbm>> -> memref<1x10240x128xf32, #tpu.memory_space<hbm>>
      %dma_wait3A_32 = tpu.memref_squeeze %dma_wait3A_31 : memref<1x10240x128xf32, #tpu.memory_space<hbm>> -> memref<10240x128xf32, #tpu.memory_space<hbm>>
      %dma_wait3A_33 = arith.constant 0 : i32
      %dma_wait3A_34 = tpu.memref_slice %dma_wait3A_32[%mul3A_22, %dma_wait3A_33] : memref<10240x128xf32, #tpu.memory_space<hbm>> -> memref<640x128xf32, #tpu.memory_space<hbm>>
      %dma_wait3A_35 = arith.constant 0 : i32
      %dma_wait3A_36 = tpu.memref_slice %arg11[%mul3A_20, %dma_wait3A_35] : memref<10240x128xf32, #tpu.memory_space<vmem_shared>> -> memref<640x128xf32, #tpu.memory_space<vmem_shared>>
      tpu.wait_dma2 semaphore(%run_scoped3A : memref<!tpu.dma_semaphore, #tpu.memory_space<semaphore_mem>>) src(%dma_wait3A_36 : memref<640x128xf32, #tpu.memory_space<vmem_shared>>) dst(%dma_wait3A_34 : memref<640x128xf32, #tpu.memory_space<hbm>>)
      tpu.yield
    }) : () -> ()
    return
  }
}

module attributes {stable_mosaic.version = 14 : i64} {
  func.func @_tc1_body(%arg0: i32, %arg1: memref<2000x128xf32, #tpu.memory_space<vmem>>, %arg2: memref<128x128xf32, #tpu.memory_space<vmem>>, %arg3: memref<128x128xf32, #tpu.memory_space<vmem>>, %arg4: memref<1x128xi32, #tpu.memory_space<vmem>>, %arg5: memref<2x2000x128xf32, #tpu.memory_space<vmem>>, %arg6: memref<2000x128xf32, #tpu.memory_space<vmem>>, %arg7: memref<2000x1xf32, #tpu.memory_space<vmem>>, %arg8: memref<128x128xf32, #tpu.memory_space<vmem>>, %arg9: memref<128x128xf32, #tpu.memory_space<vmem>>) attributes {dimension_semantics = [#tpu.dimension_semantics<arbitrary>], iteration_bounds = array<i64: 5>, scalar_prefetch = 0 : i64, scratch_operands = 1 : i64, tpu.core_type = #tpu.core_type<tc>, window_params = [{transform_indices = @transform_0, window_bounds = array<i64: 2000, 128>}, {pipeline_mode = #tpu.pipeline_mode<synchronous>, transform_indices = @transform_1, window_bounds = array<i64: 128, 128>}, {pipeline_mode = #tpu.pipeline_mode<synchronous>, transform_indices = @transform_2, window_bounds = array<i64: 128, 128>}, {pipeline_mode = #tpu.pipeline_mode<synchronous>, transform_indices = @transform_3, window_bounds = array<i64: 1, 128>}, {transform_indices = @transform_4, window_bounds = array<i64: 2, 2000, 128>}, {transform_indices = @transform_5, window_bounds = array<i64: 2000, 128>}, {transform_indices = @transform_6, window_bounds = array<i64: 2000, 1>}, {pipeline_mode = #tpu.pipeline_mode<synchronous>, transform_indices = @transform_7, window_bounds = array<i64: 128, 128>}]} {
    %get3A = arith.constant 0 : index
    %get3A_0 = arith.constant 0 : index
    %get3A_1 = arith.constant 0 : index
    %get3A_2 = vector.load %arg5[%get3A, %get3A_0, %get3A_1] : memref<2x2000x128xf32, #tpu.memory_space<vmem>>, vector<1x2000x1xf32>
    %get3A_3 = vector.shape_cast %get3A_2 : vector<1x2000x1xf32> to vector<2000x1xf32>
    %get3A_4 = arith.constant 1 : index
    %get3A_5 = arith.constant 0 : index
    %get3A_6 = arith.constant 0 : index
    %get3A_7 = vector.load %arg5[%get3A_4, %get3A_5, %get3A_6] : memref<2x2000x128xf32, #tpu.memory_space<vmem>>, vector<1x2000x1xf32>
    %get3A_8 = vector.shape_cast %get3A_7 : vector<1x2000x1xf32> to vector<2000x1xf32>
    %add3A = arith.addf %get3A_3, %get3A_8 : vector<2000x1xf32>
    %add3A_9 = arith.constant 1.000000e+00 : f32
    %add3A_10 = vector.broadcast %add3A_9 : f32 to vector<2000x1xf32>
    %add3A_11 = arith.addf %add3A, %add3A_10 : vector<2000x1xf32>
    %rsqrt3A = math.rsqrt %add3A_11 : vector<2000x1xf32>
    %swap3A = arith.constant 0 : index
    %swap3A_12 = arith.constant 0 : index
    %swap3A_13 = vector.load %arg7[%swap3A, %swap3A_12] : memref<2000x1xf32, #tpu.memory_space<vmem>>, vector<2000x1xf32>
    tpu.vector_store %arg7[%swap3A, %swap3A_12], %rsqrt3A {strides = array<i32>} : memref<2000x1xf32, #tpu.memory_space<vmem>>, vector<2000x1xf32>,
    %get3A_14 = arith.constant 0 : index
    %get3A_15 = arith.constant 0 : index
    %get3A_16 = vector.load %arg1[%get3A_14, %get3A_15] : memref<2000x128xf32, #tpu.memory_space<vmem>>, vector<2000x128xf32>
    %get3A_17 = arith.constant 0 : index
    %get3A_18 = arith.constant 0 : index
    %get3A_19 = vector.load %arg2[%get3A_17, %get3A_18] : memref<128x128xf32, #tpu.memory_space<vmem>>, vector<128x128xf32>
    %dot_general3A = arith.constant dense<0.000000e+00> : vector<2000x128xf32>
    %dot_general3A_20 = tpu.matmul %get3A_16, %get3A_19, %dot_general3A {dimension_numbers = #tpu.dot_dimension_numbers<[1], [0], [0], [1], [0, 0, 1, 1], [], []>, transpose_lhs_hint = false} : vector<2000x128xf32>, vector<128x128xf32>, vector<2000x128xf32> -> vector<2000x128xf32>
    %mul3A = vector.broadcast %rsqrt3A : vector<2000x1xf32> to vector<2000x128xf32>
    %mul3A_21 = arith.mulf %dot_general3A_20, %mul3A : vector<2000x128xf32>
    %swap3A_22 = arith.constant 0 : index
    %swap3A_23 = arith.constant 0 : index
    %swap3A_24 = vector.load %arg6[%swap3A_22, %swap3A_23] : memref<2000x128xf32, #tpu.memory_space<vmem>>, vector<2000x128xf32>
    tpu.vector_store %arg6[%swap3A_22, %swap3A_23], %mul3A_21 {strides = array<i32>} : memref<2000x128xf32, #tpu.memory_space<vmem>>, vector<2000x128xf32>,
    %mul3A_25 = arith.constant 2000 : i32
    %mul3A_26 = arith.muli %arg0, %mul3A_25 : i32
    %iota3A = tpu.iota {dimensions = array<i32: 0>} : vector<2000x1xi32>
    %add3A_27 = vector.broadcast %mul3A_26 : i32 to vector<2000x1xi32>
    %add3A_28 = arith.addi %add3A_27, %iota3A : vector<2000x1xi32>
    %get3A_29 = arith.constant 0 : index
    %get3A_30 = arith.constant 0 : index
    %get3A_31 = vector.load %arg4[%get3A_29, %get3A_30] : memref<1x128xi32, #tpu.memory_space<vmem>>, vector<1x128xi32>
    %eq3A = vector.broadcast %add3A_28 : vector<2000x1xi32> to vector<2000x128xi32>
    %eq3A_32 = vector.broadcast %get3A_31 : vector<1x128xi32> to vector<2000x128xi32>
    %eq3A_33 = arith.cmpi eq, %eq3A, %eq3A_32 : vector<2000x128xi32>
    %convert_element_type3A = arith.extui %eq3A_33 : vector<2000x128xi1> to vector<2000x128xi32>
    %convert_element_type3A_34 = arith.sitofp %convert_element_type3A : vector<2000x128xi32> to vector<2000x128xf32>
    %max3A = arith.constant 0.000000e+00 : f32
    %max3A_35 = vector.broadcast %max3A : f32 to vector<2000x128xf32>
    %max3A_36 = arith.maximumf %get3A_16, %max3A_35 : vector<2000x128xf32>
    %dot_general3A_37 = arith.constant dense<0.000000e+00> : vector<128x128xf32>
    %dot_general3A_38 = tpu.matmul %convert_element_type3A_34, %max3A_36, %dot_general3A_37 {dimension_numbers = #tpu.dot_dimension_numbers<[0], [0], [1], [1], [0, 1, 1, 1], [], []>, transpose_lhs_hint = false} : vector<2000x128xf32>, vector<2000x128xf32>, vector<128x128xf32> -> vector<128x128xf32>
    %eq3A_39 = arith.constant 0 : i32
    %eq3A_40 = arith.cmpi eq, %arg0, %eq3A_39 : i32
    %convert_element_type3A_41 = arith.extui %eq3A_40 : i1 to i32
    %cond3A = arith.constant 0 : i32
    %cond3A_42 = arith.cmpi ne, %convert_element_type3A_41, %cond3A : i32
    scf.if %cond3A_42 {
      %swap3A_58 = arith.constant 0 : index
      %swap3A_59 = arith.constant 0 : index
      %swap3A_60 = vector.load %arg9[%swap3A_58, %swap3A_59] : memref<128x128xf32, #tpu.memory_space<vmem>>, vector<128x128xf32>
      tpu.vector_store %arg9[%swap3A_58, %swap3A_59], %dot_general3A_38 {strides = array<i32>} : memref<128x128xf32, #tpu.memory_space<vmem>>, vector<128x128xf32>,
    } else {
    }
    %gt3A = arith.constant 0 : i32
    %gt3A_43 = arith.cmpi sgt, %arg0, %gt3A : i32
    %convert_element_type3A_44 = arith.extui %gt3A_43 : i1 to i32
    %cond3A_45 = arith.constant 0 : i32
    %cond3A_46 = arith.cmpi ne, %convert_element_type3A_44, %cond3A_45 : i32
    scf.if %cond3A_46 {
      %get3A_58 = arith.constant 0 : index
      %get3A_59 = arith.constant 0 : index
      %get3A_60 = vector.load %arg9[%get3A_58, %get3A_59] : memref<128x128xf32, #tpu.memory_space<vmem>>, vector<128x128xf32>
      %add3A_61 = arith.addf %get3A_60, %dot_general3A_38 : vector<128x128xf32>
      %swap3A_62 = arith.constant 0 : index
      %swap3A_63 = arith.constant 0 : index
      %swap3A_64 = vector.load %arg9[%swap3A_62, %swap3A_63] : memref<128x128xf32, #tpu.memory_space<vmem>>, vector<128x128xf32>
      tpu.vector_store %arg9[%swap3A_62, %swap3A_63], %add3A_61 {strides = array<i32>} : memref<128x128xf32, #tpu.memory_space<vmem>>, vector<128x128xf32>,
    } else {
    }
    %get3A_47 = arith.constant 0 : index
    %get3A_48 = arith.constant 0 : index
    %get3A_49 = vector.load %arg9[%get3A_47, %get3A_48] : memref<128x128xf32, #tpu.memory_space<vmem>>, vector<128x128xf32>
    %get3A_50 = arith.constant 0 : index
    %get3A_51 = arith.constant 0 : index
    %get3A_52 = vector.load %arg3[%get3A_50, %get3A_51] : memref<128x128xf32, #tpu.memory_space<vmem>>, vector<128x128xf32>
    %dot_general3A_53 = arith.constant dense<0.000000e+00> : vector<128x128xf32>
    %dot_general3A_54 = tpu.matmul %get3A_49, %get3A_52, %dot_general3A_53 {dimension_numbers = #tpu.dot_dimension_numbers<[1], [0], [0], [1], [0, 0, 1, 1], [], []>, transpose_lhs_hint = false} : vector<128x128xf32>, vector<128x128xf32>, vector<128x128xf32> -> vector<128x128xf32>
    %swap3A_55 = arith.constant 0 : index
    %swap3A_56 = arith.constant 0 : index
    %swap3A_57 = vector.load %arg8[%swap3A_55, %swap3A_56] : memref<128x128xf32, #tpu.memory_space<vmem>>, vector<128x128xf32>
    tpu.vector_store %arg8[%swap3A_55, %swap3A_56], %dot_general3A_54 {strides = array<i32>} : memref<128x128xf32, #tpu.memory_space<vmem>>, vector<128x128xf32>,
    return
  }
  func.func @transform_0(%arg0: i32) -> (i32, i32) {
    %c0_i32 = arith.constant 0 : i32
    %c0_i32_0 = arith.constant 0 : i32
    return %arg0, %c0_i32 : i32, i32
  }
  func.func @transform_1(%arg0: i32) -> (i32, i32) {
    %c0_i32 = arith.constant 0 : i32
    %c0_i32_0 = arith.constant 0 : i32
    %c0_i32_1 = arith.constant 0 : i32
    return %c0_i32, %c0_i32_0 : i32, i32
  }
  func.func @transform_2(%arg0: i32) -> (i32, i32) {
    %c0_i32 = arith.constant 0 : i32
    %c0_i32_0 = arith.constant 0 : i32
    %c0_i32_1 = arith.constant 0 : i32
    return %c0_i32, %c0_i32_0 : i32, i32
  }
  func.func @transform_3(%arg0: i32) -> (i32, i32) {
    %c0_i32 = arith.constant 0 : i32
    %c0_i32_0 = arith.constant 0 : i32
    %c0_i32_1 = arith.constant 0 : i32
    return %c0_i32, %c0_i32_0 : i32, i32
  }
  func.func @transform_4(%arg0: i32) -> (i32, i32, i32) {
    %c0_i32 = arith.constant 0 : i32
    %c0_i32_0 = arith.constant 0 : i32
    %c0_i32_1 = arith.constant 0 : i32
    return %c0_i32, %arg0, %c0_i32_0 : i32, i32, i32
  }
  func.func @transform_5(%arg0: i32) -> (i32, i32) {
    %c0_i32 = arith.constant 0 : i32
    %c0_i32_0 = arith.constant 0 : i32
    return %arg0, %c0_i32 : i32, i32
  }
  func.func @transform_6(%arg0: i32) -> (i32, i32) {
    %c0_i32 = arith.constant 0 : i32
    %c0_i32_0 = arith.constant 0 : i32
    return %arg0, %c0_i32 : i32, i32
  }
  func.func @transform_7(%arg0: i32) -> (i32, i32) {
    %c0_i32 = arith.constant 0 : i32
    %c0_i32_0 = arith.constant 0 : i32
    %c0_i32_1 = arith.constant 0 : i32
    return %c0_i32, %c0_i32_0 : i32, i32
  }
}

module attributes {stable_mosaic.version = 14 : i64} {
  func.func @_tc2_body(%arg0: i32, %arg1: memref<2x2000x128xf32, #tpu.memory_space<vmem>>, %arg2: memref<2000x128xf32, #tpu.memory_space<vmem>>, %arg3: memref<2000x1xf32, #tpu.memory_space<vmem>>, %arg4: memref<1x128xf32, #tpu.memory_space<vmem>>, %arg5: memref<128x128xf32, #tpu.memory_space<vmem>>, %arg6: memref<2000x1xi32, #tpu.memory_space<vmem>>, %arg7: memref<128x128xf32, #tpu.memory_space<vmem>>, %arg8: memref<2000x128xf32, #tpu.memory_space<vmem>>, %arg9: memref<2000x128xf32, #tpu.memory_space<vmem>>) attributes {dimension_semantics = [#tpu.dimension_semantics<arbitrary>], iteration_bounds = array<i64: 5>, scalar_prefetch = 0 : i64, scratch_operands = 0 : i64, tpu.core_type = #tpu.core_type<tc>, window_params = [{transform_indices = @transform_0, window_bounds = array<i64: 2, 2000, 128>}, {transform_indices = @transform_1, window_bounds = array<i64: 2000, 128>}, {transform_indices = @transform_2, window_bounds = array<i64: 2000, 1>}, {pipeline_mode = #tpu.pipeline_mode<synchronous>, transform_indices = @transform_3, window_bounds = array<i64: 1, 128>}, {pipeline_mode = #tpu.pipeline_mode<synchronous>, transform_indices = @transform_4, window_bounds = array<i64: 128, 128>}, {transform_indices = @transform_5, window_bounds = array<i64: 2000, 1>}, {pipeline_mode = #tpu.pipeline_mode<synchronous>, transform_indices = @transform_6, window_bounds = array<i64: 128, 128>}, {transform_indices = @transform_7, window_bounds = array<i64: 2000, 128>}, {transform_indices = @transform_8, window_bounds = array<i64: 2000, 128>}]} {
    %get3A = arith.constant 0 : index
    %get3A_0 = arith.constant 0 : index
    %get3A_1 = vector.load %arg3[%get3A, %get3A_0] : memref<2000x1xf32, #tpu.memory_space<vmem>>, vector<2000x1xf32>
    %get3A_2 = arith.constant 0 : index
    %get3A_3 = arith.constant 0 : index
    %get3A_4 = arith.constant 0 : index
    %get3A_5 = vector.load %arg1[%get3A_2, %get3A_3, %get3A_4] : memref<2x2000x128xf32, #tpu.memory_space<vmem>>, vector<1x2000x128xf32>
    %get3A_6 = vector.shape_cast %get3A_5 : vector<1x2000x128xf32> to vector<2000x128xf32>
    %get3A_7 = arith.constant 1 : index
    %get3A_8 = arith.constant 0 : index
    %get3A_9 = arith.constant 0 : index
    %get3A_10 = vector.load %arg1[%get3A_7, %get3A_8, %get3A_9] : memref<2x2000x128xf32, #tpu.memory_space<vmem>>, vector<1x2000x128xf32>
    %get3A_11 = vector.shape_cast %get3A_10 : vector<1x2000x128xf32> to vector<2000x128xf32>
    %add3A = arith.addf %get3A_6, %get3A_11 : vector<2000x128xf32>
    %get3A_12 = arith.constant 0 : index
    %get3A_13 = arith.constant 0 : index
    %get3A_14 = vector.load %arg2[%get3A_12, %get3A_13] : memref<2000x128xf32, #tpu.memory_space<vmem>>, vector<2000x128xf32>
    %add3A_15 = arith.addf %add3A, %get3A_14 : vector<2000x128xf32>
    %mul3A = vector.broadcast %get3A_1 : vector<2000x1xf32> to vector<2000x128xf32>
    %mul3A_16 = arith.mulf %mul3A, %add3A_15 : vector<2000x128xf32>
    %get3A_17 = arith.constant 0 : index
    %get3A_18 = arith.constant 0 : index
    %get3A_19 = vector.load %arg4[%get3A_17, %get3A_18] : memref<1x128xf32, #tpu.memory_space<vmem>>, vector<1x128xf32>
    %add3A_20 = vector.broadcast %get3A_19 : vector<1x128xf32> to vector<2000x128xf32>
    %add3A_21 = arith.addf %mul3A_16, %add3A_20 : vector<2000x128xf32>
    %swap3A = arith.constant 0 : index
    %swap3A_22 = arith.constant 0 : index
    %swap3A_23 = vector.load %arg8[%swap3A, %swap3A_22] : memref<2000x128xf32, #tpu.memory_space<vmem>>, vector<2000x128xf32>
    tpu.vector_store %arg8[%swap3A, %swap3A_22], %add3A_21 {strides = array<i32>} : memref<2000x128xf32, #tpu.memory_space<vmem>>, vector<2000x128xf32>,
    %max3A = arith.constant 0.000000e+00 : f32
    %max3A_24 = vector.broadcast %max3A : f32 to vector<2000x128xf32>
    %max3A_25 = arith.maximumf %add3A_21, %max3A_24 : vector<2000x128xf32>
    %get3A_26 = arith.constant 0 : index
    %get3A_27 = arith.constant 0 : index
    %get3A_28 = vector.load %arg6[%get3A_26, %get3A_27] : memref<2000x1xi32, #tpu.memory_space<vmem>>, vector<2000x1xi32>
    %iota3A = tpu.iota {dimensions = array<i32: 1>} : vector<1x128xi32>
    %eq3A = vector.broadcast %get3A_28 : vector<2000x1xi32> to vector<2000x128xi32>
    %eq3A_29 = vector.broadcast %iota3A : vector<1x128xi32> to vector<2000x128xi32>
    %eq3A_30 = arith.cmpi eq, %eq3A, %eq3A_29 : vector<2000x128xi32>
    %convert_element_type3A = arith.extui %eq3A_30 : vector<2000x128xi1> to vector<2000x128xi32>
    %convert_element_type3A_31 = arith.sitofp %convert_element_type3A : vector<2000x128xi32> to vector<2000x128xf32>
    %get3A_32 = arith.constant 0 : index
    %get3A_33 = arith.constant 0 : index
    %get3A_34 = vector.load %arg7[%get3A_32, %get3A_33] : memref<128x128xf32, #tpu.memory_space<vmem>>, vector<128x128xf32>
    %dot_general3A = arith.constant dense<0.000000e+00> : vector<2000x128xf32>
    %dot_general3A_35 = tpu.matmul %max3A_25, %get3A_34, %dot_general3A {dimension_numbers = #tpu.dot_dimension_numbers<[1], [0], [0], [1], [0, 0, 1, 1], [], []>, transpose_lhs_hint = false} : vector<2000x128xf32>, vector<128x128xf32>, vector<2000x128xf32> -> vector<2000x128xf32>
    %get3A_36 = arith.constant 0 : index
    %get3A_37 = arith.constant 0 : index
    %get3A_38 = vector.load %arg5[%get3A_36, %get3A_37] : memref<128x128xf32, #tpu.memory_space<vmem>>, vector<128x128xf32>
    %dot_general3A_39 = arith.constant dense<0.000000e+00> : vector<2000x128xf32>
    %dot_general3A_40 = tpu.matmul %convert_element_type3A_31, %get3A_38, %dot_general3A_39 {dimension_numbers = #tpu.dot_dimension_numbers<[1], [0], [0], [1], [0, 0, 1, 1], [], []>, transpose_lhs_hint = false} : vector<2000x128xf32>, vector<128x128xf32>, vector<2000x128xf32> -> vector<2000x128xf32>
    %add3A_41 = arith.addf %dot_general3A_35, %dot_general3A_40 : vector<2000x128xf32>
    %mul3A_42 = vector.broadcast %get3A_1 : vector<2000x1xf32> to vector<2000x128xf32>
    %mul3A_43 = arith.mulf %add3A_41, %mul3A_42 : vector<2000x128xf32>
    %swap3A_44 = arith.constant 0 : index
    %swap3A_45 = arith.constant 0 : index
    %swap3A_46 = vector.load %arg9[%swap3A_44, %swap3A_45] : memref<2000x128xf32, #tpu.memory_space<vmem>>, vector<2000x128xf32>
    tpu.vector_store %arg9[%swap3A_44, %swap3A_45], %mul3A_43 {strides = array<i32>} : memref<2000x128xf32, #tpu.memory_space<vmem>>, vector<2000x128xf32>,
    return
  }
  func.func @transform_0(%arg0: i32) -> (i32, i32, i32) {
    %c0_i32 = arith.constant 0 : i32
    %c0_i32_0 = arith.constant 0 : i32
    %c0_i32_1 = arith.constant 0 : i32
    return %c0_i32, %arg0, %c0_i32_0 : i32, i32, i32
  }
  func.func @transform_1(%arg0: i32) -> (i32, i32) {
    %c0_i32 = arith.constant 0 : i32
    %c0_i32_0 = arith.constant 0 : i32
    return %arg0, %c0_i32 : i32, i32
  }
  func.func @transform_2(%arg0: i32) -> (i32, i32) {
    %c0_i32 = arith.constant 0 : i32
    %c0_i32_0 = arith.constant 0 : i32
    return %arg0, %c0_i32 : i32, i32
  }
  func.func @transform_3(%arg0: i32) -> (i32, i32) {
    %c0_i32 = arith.constant 0 : i32
    %c0_i32_0 = arith.constant 0 : i32
    %c0_i32_1 = arith.constant 0 : i32
    return %c0_i32, %c0_i32_0 : i32, i32
  }
  func.func @transform_4(%arg0: i32) -> (i32, i32) {
    %c0_i32 = arith.constant 0 : i32
    %c0_i32_0 = arith.constant 0 : i32
    %c0_i32_1 = arith.constant 0 : i32
    return %c0_i32, %c0_i32_0 : i32, i32
  }
  func.func @transform_5(%arg0: i32) -> (i32, i32) {
    %c0_i32 = arith.constant 0 : i32
    %c0_i32_0 = arith.constant 0 : i32
    return %arg0, %c0_i32 : i32, i32
  }
  func.func @transform_6(%arg0: i32) -> (i32, i32) {
    %c0_i32 = arith.constant 0 : i32
    %c0_i32_0 = arith.constant 0 : i32
    %c0_i32_1 = arith.constant 0 : i32
    return %c0_i32, %c0_i32_0 : i32, i32
  }
  func.func @transform_7(%arg0: i32) -> (i32, i32) {
    %c0_i32 = arith.constant 0 : i32
    %c0_i32_0 = arith.constant 0 : i32
    return %arg0, %c0_i32 : i32, i32
  }
  func.func @transform_8(%arg0: i32) -> (i32, i32) {
    %c0_i32 = arith.constant 0 : i32
    %c0_i32_0 = arith.constant 0 : i32
    return %arg0, %c0_i32 : i32, i32
  }
}

module attributes {stable_mosaic.version = 14 : i64} {
  func.func @_tc3_body(%arg0: i32, %arg1: memref<2x2000x128xf32, #tpu.memory_space<vmem>>, %arg2: memref<2000x128xf32, #tpu.memory_space<vmem>>, %arg3: memref<2000x1xf32, #tpu.memory_space<vmem>>, %arg4: memref<1x128xf32, #tpu.memory_space<vmem>>, %arg5: memref<2000x1xi32, #tpu.memory_space<vmem>>, %arg6: memref<1x128xi32, #tpu.memory_space<vmem>>, %arg7: memref<2000x128xf32, #tpu.memory_space<vmem>>, %arg8: memref<128x256xf32, #tpu.memory_space<vmem>>, %arg9: memref<128x128xf32, #tpu.memory_space<vmem>>, %arg10: memref<128x1xf32, #tpu.memory_space<vmem>>, %arg11: memref<128x128xf32, #tpu.memory_space<vmem>>) attributes {dimension_semantics = [#tpu.dimension_semantics<arbitrary>], iteration_bounds = array<i64: 5>, scalar_prefetch = 0 : i64, scratch_operands = 3 : i64, tpu.core_type = #tpu.core_type<tc>, window_params = [{transform_indices = @transform_0, window_bounds = array<i64: 2, 2000, 128>}, {transform_indices = @transform_1, window_bounds = array<i64: 2000, 128>}, {transform_indices = @transform_2, window_bounds = array<i64: 2000, 1>}, {pipeline_mode = #tpu.pipeline_mode<synchronous>, transform_indices = @transform_3, window_bounds = array<i64: 1, 128>}, {transform_indices = @transform_4, window_bounds = array<i64: 2000, 1>}, {pipeline_mode = #tpu.pipeline_mode<synchronous>, transform_indices = @transform_5, window_bounds = array<i64: 1, 128>}, {transform_indices = @transform_6, window_bounds = array<i64: 2000, 128>}, {pipeline_mode = #tpu.pipeline_mode<synchronous>, transform_indices = @transform_7, window_bounds = array<i64: 128, 256>}]} {
    %get3A = arith.constant 0 : index
    %get3A_0 = arith.constant 0 : index
    %get3A_1 = vector.load %arg3[%get3A, %get3A_0] : memref<2000x1xf32, #tpu.memory_space<vmem>>, vector<2000x1xf32>
    %get3A_2 = arith.constant 0 : index
    %get3A_3 = arith.constant 0 : index
    %get3A_4 = arith.constant 0 : index
    %get3A_5 = vector.load %arg1[%get3A_2, %get3A_3, %get3A_4] : memref<2x2000x128xf32, #tpu.memory_space<vmem>>, vector<1x2000x128xf32>
    %get3A_6 = vector.shape_cast %get3A_5 : vector<1x2000x128xf32> to vector<2000x128xf32>
    %get3A_7 = arith.constant 1 : index
    %get3A_8 = arith.constant 0 : index
    %get3A_9 = arith.constant 0 : index
    %get3A_10 = vector.load %arg1[%get3A_7, %get3A_8, %get3A_9] : memref<2x2000x128xf32, #tpu.memory_space<vmem>>, vector<1x2000x128xf32>
    %get3A_11 = vector.shape_cast %get3A_10 : vector<1x2000x128xf32> to vector<2000x128xf32>
    %add3A = arith.addf %get3A_6, %get3A_11 : vector<2000x128xf32>
    %get3A_12 = arith.constant 0 : index
    %get3A_13 = arith.constant 0 : index
    %get3A_14 = vector.load %arg2[%get3A_12, %get3A_13] : memref<2000x128xf32, #tpu.memory_space<vmem>>, vector<2000x128xf32>
    %add3A_15 = arith.addf %add3A, %get3A_14 : vector<2000x128xf32>
    %mul3A = vector.broadcast %get3A_1 : vector<2000x1xf32> to vector<2000x128xf32>
    %mul3A_16 = arith.mulf %mul3A, %add3A_15 : vector<2000x128xf32>
    %get3A_17 = arith.constant 0 : index
    %get3A_18 = arith.constant 0 : index
    %get3A_19 = vector.load %arg4[%get3A_17, %get3A_18] : memref<1x128xf32, #tpu.memory_space<vmem>>, vector<1x128xf32>
    %add3A_20 = vector.broadcast %get3A_19 : vector<1x128xf32> to vector<2000x128xf32>
    %add3A_21 = arith.addf %mul3A_16, %add3A_20 : vector<2000x128xf32>
    %max3A = arith.constant 0.000000e+00 : f32
    %max3A_22 = vector.broadcast %max3A : f32 to vector<2000x128xf32>
    %max3A_23 = arith.maximumf %add3A_21, %max3A_22 : vector<2000x128xf32>
    %get3A_24 = arith.constant 0 : index
    %get3A_25 = arith.constant 0 : index
    %get3A_26 = vector.load %arg5[%get3A_24, %get3A_25] : memref<2000x1xi32, #tpu.memory_space<vmem>>, vector<2000x1xi32>
    %iota3A = tpu.iota {dimensions = array<i32: 1>} : vector<1x128xi32>
    %eq3A = vector.broadcast %get3A_26 : vector<2000x1xi32> to vector<2000x128xi32>
    %eq3A_27 = vector.broadcast %iota3A : vector<1x128xi32> to vector<2000x128xi32>
    %eq3A_28 = arith.cmpi eq, %eq3A, %eq3A_27 : vector<2000x128xi32>
    %convert_element_type3A = arith.extui %eq3A_28 : vector<2000x128xi1> to vector<2000x128xi32>
    %convert_element_type3A_29 = arith.sitofp %convert_element_type3A : vector<2000x128xi32> to vector<2000x128xf32>
    %dot_general3A = arith.constant dense<0.000000e+00> : vector<128x128xf32>
    %dot_general3A_30 = tpu.matmul %convert_element_type3A_29, %max3A_23, %dot_general3A {dimension_numbers = #tpu.dot_dimension_numbers<[0], [0], [1], [1], [0, 1, 1, 1], [], []>, transpose_lhs_hint = false} : vector<2000x128xf32>, vector<2000x128xf32>, vector<128x128xf32> -> vector<128x128xf32>
    %broadcast_in_dim3A = arith.constant 1.000000e+00 : f32
    %broadcast_in_dim3A_31 = vector.broadcast %broadcast_in_dim3A : f32 to vector<2000x1xf32>
    %dot_general3A_32 = arith.constant dense<0.000000e+00> : vector<128x1xf32>
    %dot_general3A_33 = tpu.matmul %convert_element_type3A_29, %broadcast_in_dim3A_31, %dot_general3A_32 {dimension_numbers = #tpu.dot_dimension_numbers<[0], [0], [1], [1], [0, 1, 1, 1], [], []>, transpose_lhs_hint = false} : vector<2000x128xf32>, vector<2000x1xf32>, vector<128x1xf32> -> vector<128x1xf32>
    %mul3A_34 = arith.constant 2000 : i32
    %mul3A_35 = arith.muli %arg0, %mul3A_34 : i32
    %iota3A_36 = tpu.iota {dimensions = array<i32: 0>} : vector<2000x1xi32>
    %add3A_37 = vector.broadcast %mul3A_35 : i32 to vector<2000x1xi32>
    %add3A_38 = arith.addi %add3A_37, %iota3A_36 : vector<2000x1xi32>
    %get3A_39 = arith.constant 0 : index
    %get3A_40 = arith.constant 0 : index
    %get3A_41 = vector.load %arg6[%get3A_39, %get3A_40] : memref<1x128xi32, #tpu.memory_space<vmem>>, vector<1x128xi32>
    %eq3A_42 = vector.broadcast %add3A_38 : vector<2000x1xi32> to vector<2000x128xi32>
    %eq3A_43 = vector.broadcast %get3A_41 : vector<1x128xi32> to vector<2000x128xi32>
    %eq3A_44 = arith.cmpi eq, %eq3A_42, %eq3A_43 : vector<2000x128xi32>
    %convert_element_type3A_45 = arith.extui %eq3A_44 : vector<2000x128xi1> to vector<2000x128xi32>
    %convert_element_type3A_46 = arith.sitofp %convert_element_type3A_45 : vector<2000x128xi32> to vector<2000x128xf32>
    %get3A_47 = arith.constant 0 : index
    %get3A_48 = arith.constant 0 : index
    %get3A_49 = vector.load %arg7[%get3A_47, %get3A_48] : memref<2000x128xf32, #tpu.memory_space<vmem>>, vector<2000x128xf32>
    %dot_general3A_50 = arith.constant dense<0.000000e+00> : vector<128x128xf32>
    %dot_general3A_51 = tpu.matmul %convert_element_type3A_46, %get3A_49, %dot_general3A_50 {dimension_numbers = #tpu.dot_dimension_numbers<[0], [0], [1], [1], [0, 1, 1, 1], [], []>, transpose_lhs_hint = false} : vector<2000x128xf32>, vector<2000x128xf32>, vector<128x128xf32> -> vector<128x128xf32>
    %eq3A_52 = arith.constant 0 : i32
    %eq3A_53 = arith.cmpi eq, %arg0, %eq3A_52 : i32
    %convert_element_type3A_54 = arith.extui %eq3A_53 : i1 to i32
    %cond3A = arith.constant 0 : i32
    %cond3A_55 = arith.cmpi ne, %convert_element_type3A_54, %cond3A : i32
    scf.if %cond3A_55 {
      %swap3A_81 = arith.constant 0 : index
      %swap3A_82 = arith.constant 0 : index
      %swap3A_83 = vector.load %arg9[%swap3A_81, %swap3A_82] : memref<128x128xf32, #tpu.memory_space<vmem>>, vector<128x128xf32>
      tpu.vector_store %arg9[%swap3A_81, %swap3A_82], %dot_general3A_30 {strides = array<i32>} : memref<128x128xf32, #tpu.memory_space<vmem>>, vector<128x128xf32>,
      %swap3A_84 = arith.constant 0 : index
      %swap3A_85 = arith.constant 0 : index
      %swap3A_86 = vector.load %arg10[%swap3A_84, %swap3A_85] : memref<128x1xf32, #tpu.memory_space<vmem>>, vector<128x1xf32>
      tpu.vector_store %arg10[%swap3A_84, %swap3A_85], %dot_general3A_33 {strides = array<i32>} : memref<128x1xf32, #tpu.memory_space<vmem>>, vector<128x1xf32>,
      %swap3A_87 = arith.constant 0 : index
      %swap3A_88 = arith.constant 0 : index
      %swap3A_89 = vector.load %arg11[%swap3A_87, %swap3A_88] : memref<128x128xf32, #tpu.memory_space<vmem>>, vector<128x128xf32>
      tpu.vector_store %arg11[%swap3A_87, %swap3A_88], %dot_general3A_51 {strides = array<i32>} : memref<128x128xf32, #tpu.memory_space<vmem>>, vector<128x128xf32>,
    } else {
    }
    %gt3A = arith.constant 0 : i32
    %gt3A_56 = arith.cmpi sgt, %arg0, %gt3A : i32
    %convert_element_type3A_57 = arith.extui %gt3A_56 : i1 to i32
    %cond3A_58 = arith.constant 0 : i32
    %cond3A_59 = arith.cmpi ne, %convert_element_type3A_57, %cond3A_58 : i32
    scf.if %cond3A_59 {
      %get3A_81 = arith.constant 0 : index
      %get3A_82 = arith.constant 0 : index
      %get3A_83 = vector.load %arg9[%get3A_81, %get3A_82] : memref<128x128xf32, #tpu.memory_space<vmem>>, vector<128x128xf32>
      %add3A_84 = arith.addf %get3A_83, %dot_general3A_30 : vector<128x128xf32>
      %swap3A_85 = arith.constant 0 : index
      %swap3A_86 = arith.constant 0 : index
      %swap3A_87 = vector.load %arg9[%swap3A_85, %swap3A_86] : memref<128x128xf32, #tpu.memory_space<vmem>>, vector<128x128xf32>
      tpu.vector_store %arg9[%swap3A_85, %swap3A_86], %add3A_84 {strides = array<i32>} : memref<128x128xf32, #tpu.memory_space<vmem>>, vector<128x128xf32>,
      %get3A_88 = arith.constant 0 : index
      %get3A_89 = arith.constant 0 : index
      %get3A_90 = vector.load %arg10[%get3A_88, %get3A_89] : memref<128x1xf32, #tpu.memory_space<vmem>>, vector<128x1xf32>
      %add3A_91 = arith.addf %get3A_90, %dot_general3A_33 : vector<128x1xf32>
      %swap3A_92 = arith.constant 0 : index
      %swap3A_93 = arith.constant 0 : index
      %swap3A_94 = vector.load %arg10[%swap3A_92, %swap3A_93] : memref<128x1xf32, #tpu.memory_space<vmem>>, vector<128x1xf32>
      tpu.vector_store %arg10[%swap3A_92, %swap3A_93], %add3A_91 {strides = array<i32>} : memref<128x1xf32, #tpu.memory_space<vmem>>, vector<128x1xf32>,
      %get3A_95 = arith.constant 0 : index
      %get3A_96 = arith.constant 0 : index
      %get3A_97 = vector.load %arg11[%get3A_95, %get3A_96] : memref<128x128xf32, #tpu.memory_space<vmem>>, vector<128x128xf32>
      %add3A_98 = arith.addf %get3A_97, %dot_general3A_51 : vector<128x128xf32>
      %swap3A_99 = arith.constant 0 : index
      %swap3A_100 = arith.constant 0 : index
      %swap3A_101 = vector.load %arg11[%swap3A_99, %swap3A_100] : memref<128x128xf32, #tpu.memory_space<vmem>>, vector<128x128xf32>
      tpu.vector_store %arg11[%swap3A_99, %swap3A_100], %add3A_98 {strides = array<i32>} : memref<128x128xf32, #tpu.memory_space<vmem>>, vector<128x128xf32>,
    } else {
    }
    %get3A_60 = arith.constant 0 : index
    %get3A_61 = arith.constant 0 : index
    %get3A_62 = vector.load %arg10[%get3A_60, %get3A_61] : memref<128x1xf32, #tpu.memory_space<vmem>>, vector<128x1xf32>
    %get3A_63 = arith.constant 0 : index
    %get3A_64 = arith.constant 0 : index
    %get3A_65 = vector.load %arg9[%get3A_63, %get3A_64] : memref<128x128xf32, #tpu.memory_space<vmem>>, vector<128x128xf32>
    %max3A_66 = arith.constant 1.000000e+00 : f32
    %max3A_67 = vector.broadcast %max3A_66 : f32 to vector<128x1xf32>
    %max3A_68 = arith.maximumf %get3A_62, %max3A_67 : vector<128x1xf32>
    %div3A = vector.broadcast %max3A_68 : vector<128x1xf32> to vector<128x128xf32>
    %div3A_69 = arith.divf %get3A_65, %div3A : vector<128x128xf32>
    %gt3A_70 = arith.constant 0.000000e+00 : f32
    %gt3A_71 = vector.broadcast %gt3A_70 : f32 to vector<128x1xf32>
    %gt3A_72 = arith.cmpf ogt, %get3A_62, %gt3A_71 : vector<128x1xf32>
    %get3A_73 = arith.constant 0 : index
    %get3A_74 = arith.constant 0 : index
    %get3A_75 = vector.load %arg11[%get3A_73, %get3A_74] : memref<128x128xf32, #tpu.memory_space<vmem>>, vector<128x128xf32>
    %jit3A = arith.constant 0.000000e+00 : f32
    %broadcast_in_dim3A_76 = vector.shape_cast %gt3A_72 : vector<128x1xi1> to vector<128x1xi1>
    %broadcast_in_dim3A_77 = vector.broadcast %broadcast_in_dim3A_76 : vector<128x1xi1> to vector<128x128xi1>
    %broadcast_in_dim3A_78 = vector.broadcast %jit3A : f32 to vector<128x128xf32>
    %select_n3A = arith.select %broadcast_in_dim3A_77, %get3A_75, %broadcast_in_dim3A_78 : vector<128x128xi1>, vector<128x128xf32>
    %concatenate3A = tpu.concatenate %div3A_69, %select_n3A in 1 : vector<128x128xf32>, vector<128x128xf32> -> vector<128x256xf32>
    %swap3A = arith.constant 0 : index
    %swap3A_79 = arith.constant 0 : index
    %swap3A_80 = vector.load %arg8[%swap3A, %swap3A_79] : memref<128x256xf32, #tpu.memory_space<vmem>>, vector<128x256xf32>
    tpu.vector_store %arg8[%swap3A, %swap3A_79], %concatenate3A {strides = array<i32>} : memref<128x256xf32, #tpu.memory_space<vmem>>, vector<128x256xf32>,
    return
  }
  func.func @transform_0(%arg0: i32) -> (i32, i32, i32) {
    %c0_i32 = arith.constant 0 : i32
    %c0_i32_0 = arith.constant 0 : i32
    %c0_i32_1 = arith.constant 0 : i32
    return %c0_i32, %arg0, %c0_i32_0 : i32, i32, i32
  }
  func.func @transform_1(%arg0: i32) -> (i32, i32) {
    %c0_i32 = arith.constant 0 : i32
    %c0_i32_0 = arith.constant 0 : i32
    return %arg0, %c0_i32 : i32, i32
  }
  func.func @transform_2(%arg0: i32) -> (i32, i32) {
    %c0_i32 = arith.constant 0 : i32
    %c0_i32_0 = arith.constant 0 : i32
    return %arg0, %c0_i32 : i32, i32
  }
  func.func @transform_3(%arg0: i32) -> (i32, i32) {
    %c0_i32 = arith.constant 0 : i32
    %c0_i32_0 = arith.constant 0 : i32
    %c0_i32_1 = arith.constant 0 : i32
    return %c0_i32, %c0_i32_0 : i32, i32
  }
  func.func @transform_4(%arg0: i32) -> (i32, i32) {
    %c0_i32 = arith.constant 0 : i32
    %c0_i32_0 = arith.constant 0 : i32
    return %arg0, %c0_i32 : i32, i32
  }
  func.func @transform_5(%arg0: i32) -> (i32, i32) {
    %c0_i32 = arith.constant 0 : i32
    %c0_i32_0 = arith.constant 0 : i32
    %c0_i32_1 = arith.constant 0 : i32
    return %c0_i32, %c0_i32_0 : i32, i32
  }
  func.func @transform_6(%arg0: i32) -> (i32, i32) {
    %c0_i32 = arith.constant 0 : i32
    %c0_i32_0 = arith.constant 0 : i32
    return %arg0, %c0_i32 : i32, i32
  }
  func.func @transform_7(%arg0: i32) -> (i32, i32) {
    %c0_i32 = arith.constant 0 : i32
    %c0_i32_0 = arith.constant 0 : i32
    %c0_i32_1 = arith.constant 0 : i32
    return %c0_i32, %c0_i32_0 : i32, i32
  }
}

</mosaic_0001>

<sc_bundles>
// kernel: kernel.11.cloned.1.call-start
scs
__scs_entry_jumppad:
0x0: {  	(pc) =	sbr.rel $0x88, $3  }
0x1: {  	(tag) =	ssettag $0x0;
	lr =	simm.s32 $0x1  }
0x2: {  	[smem:$0x3F99] =	sst lr;
	_ =	strace $0xD0000000  }
0x3: {  	_ = 	snop  }
0x4: {  	_ = 	snop  }
0x5: {  	_ = 	snop  }
0x6: {  	_ = 	snop  }
0x7: {  	_ = 	snop  }
__scs_overlays_trampoline_lowered:
0x8: {  	[smem:$0x3FA8] =	sst s0  }
0x9: {  	[smem:$0x3FA9] =	sst s1  }
0xa: {  	[smem:$0x3FAA] =	sst s2  }
0xb: {  	[smem:$0x3FAB] =	sst s3  }
0xc: {  	[smem:$0x3FAC] =	sst s4  }
0xd: {  	[smem:$0x3FAD] =	sst s5  }
0xe: {  	[smem:$0x3FAE] =	sst s6  }
0xf: {  	[smem:$0x3FAF] =	sst s7  }
0x10: {  	[smem:$0x3FB0] =	sst s8  }
0x11: {  	[smem:$0x3FB1] =	sst s9;
	s0 =	simm.s32 @!p0 $0x0  }
0x12: {  	s1 =	sld [smem:$0x3F97];
	s0 =	simm.s32 @p0 $0x1  }
0x13: {  	[smem:$0x3FB2] =	sst s0;
	s0 =	simm.s32 @!p1 $0x0  }
0x14: {  	s2 =	sld [smem:$0x3F96];
	s0 =	simm.s32 @p1 $0x1  }
0x15: {  	[smem:$0x3FB3] =	sst s0;
	s0 =	simm.s32 @!p2 $0x0  }
0x16: {  	s3 =	sld [smem:$0x3FDB];
	s0 =	simm.s32 @p2 $0x1  }
0x17: {  	s4 =	simm.s32 $0x1BF5;
	[smem:$0x3FB5] =	sst s0  }
0x18: {  	s0 =	sld [smem:$0x3F98];
	_ =	swait.ge [sflag:s4], $0x0  }
0x19: {  	s7 =	sld [smem:$0x3F99]  }
0x1a: {  	s8 =	sadd.s32 $0xFFFFE003, lr  }
0x1b: {  	s9 =	sadd.s32 $0xFFFFFEF7, lr;
	s5 =	simm.s32 $0xFFFFFFFF;
	p2 =	slt.u32 s8, $0xFFFFF086  }
0x1c: {  	p1 =	slt.u32 s9, $0xF7A;
	s5 =	simm.s32 @!p2 $0x0  }
0x1d: {  	s5 =	simm.s32 @p1 $0x1;
	p0 =	seq.s32 s7, s2  }
0x1e: {  	s7 =	smul.u32 @!p0 $0xF7A, s2;
	p2 =	seq.s32 @!p0 s5, $0x0  }
0x1f: {  	s9 =	smul.u32 $0xF7A, s1;
	s8 =	simm.s32 @!p0 $0x1BF5;
	p2 =	por !p2, p0  }
0x20: {  	[sflag:s8] =	ssyncset.s32 @!p0 $0xFFFFF086;
	s6 =	sadd.s32 @!p0 s3, s7;
	s7 =	simm.s32 @!p0 $0x108  }
0x21: {  	s3 =	sadd.s32 s3, s9;
	s6 =	sadd.s32 @!p0 $0x88, s6;
	s7 =	simm.s32 @p2 $0x1082  }
0x22: {  	[simem:s7], [sflag:s8] =	dma.local @!p0 [hbm:s6], $0xF7A  }
0x23: {  	s9 =	sor.u32 $0xD0000000, s2;
	s6 =	simm.s32 $0x108;
	_ =	swait.ge @!p0 [sflag:s8], $0x0  }
0x24: {  	s3 =	sadd.s32 $0x88, s3;
	s6 =	simm.s32 @!p1 $0x1082;
	[sflag:s4] =	ssyncset.s32 $0xFFFFF086  }
0x25: {  	[simem:s6], [sflag:s4] =	dma.local [hbm:s3], $0xF7A  }
0x26: {  	[smem:$0x3F99] =	sst s1;
	(tag) =	ssettag s2;
	_ =	strace s9  }
0x27: {  	s1 =	sld [smem:$0x3FA9]  }
0x28: {  	s2 =	sld [smem:$0x3FAA]  }
0x29: {  	s4 =	sld [smem:$0x3FAC]  }
0x2a: {  	p0 =	seq.s32 s5, $0x0;
	s5 =	sld [smem:$0x3FAD]  }
0x2b: {  	s6 =	sld [smem:$0x3FAE]  }
0x2c: {  	s7 =	sld [smem:$0x3FAF]  }
0x2d: {  	s3 =	simm.s32 $0x108;
	s8 =	sld [smem:$0x3FB0]  }
0x2e: {  	s3 =	simm.s32 @!p0 $0x1082;
	s9 =	sld [smem:$0x3FB1]  }
0x2f: {  	lr =	sadd.s32 s0, s3;
	s0 =	sld [smem:$0x3FA8]  }
0x30: {  	s3 =	sld [smem:$0x3FAB]  }
0x31: {  	[smem:$0x3FB4] =	sst s10  }
0x32: {  	s10 =	sld [smem:$0x3FB2];
	_ =	sdelay $0x3  }
0x33: {  	p0 =	seq.s32 s10, $0x1;
	s10 =	sld [smem:$0x3FB4];
	_ =	sdelay $0x3  }
0x34: {  	[smem:$0x3FB4] =	sst s10  }
0x35: {  	s10 =	sld [smem:$0x3FB3];
	_ =	sdelay $0x3  }
0x36: {  	p1 =	seq.s32 s10, $0x1;
	s10 =	sld [smem:$0x3FB4];
	_ =	sdelay $0x3  }
0x37: {  	[smem:$0x3FB4] =	sst s10  }
0x38: {  	s10 =	sld [smem:$0x3FB5]  }
0x39: {  	_ = 	snop;
	(pc) =	sbr.ind lr, $3  }
0x3a: {  	_ = 	snop  }
0x3b: {  	_ = 	snop  }
0x3c: {  	p2 =	seq.s32 s10, $0x1;
	s10 =	sld [smem:$0x3FB4]  }
0x3d: {  	_ =	shalt  }
0x3e: {  	_ =	shalt  }
0x3f: {  	_ =	shalt  }
0x40: {  	_ =	shalt  }
0x41: {  	_ =	shalt  }
0x42: {  	_ =	shalt  }
0x43: {  	_ =	shalt  }
0x44: {  	_ =	shalt  }
0x45: {  	_ =	shalt  }
0x46: {  	_ =	shalt  }
0x47: {  	_ =	shalt  }
0x48: {  	_ =	shalt  }
0x49: {  	_ =	shalt  }
0x4a: {  	_ =	shalt  }
0x4b: {  	_ =	shalt  }
0x4c: {  	_ =	shalt  }
0x4d: {  	_ =	shalt  }
0x4e: {  	_ =	shalt  }
0x4f: {  	_ =	shalt  }
0x50: {  	_ =	shalt  }
0x51: {  	_ =	shalt  }
0x52: {  	_ =	shalt  }
0x53: {  	_ =	shalt  }
0x54: {  	_ =	shalt  }
0x55: {  	_ =	shalt  }
0x56: {  	_ =	shalt  }
0x57: {  	_ =	shalt  }
0x58: {  	_ =	shalt  }
0x59: {  	_ =	shalt  }
0x5a: {  	_ =	shalt  }
0x5b: {  	_ =	shalt  }
0x5c: {  	_ =	shalt  }
0x5d: {  	_ =	shalt  }
0x5e: {  	_ =	shalt  }
0x5f: {  	_ =	shalt  }
0x60: {  	_ =	shalt  }
0x61: {  	_ =	shalt  }
0x62: {  	_ =	shalt  }
0x63: {  	_ =	shalt  }
0x64: {  	_ =	shalt  }
0x65: {  	_ =	shalt  }
0x66: {  	_ =	shalt  }
0x67: {  	_ =	shalt  }
0x68: {  	_ =	shalt  }
0x69: {  	_ =	shalt  }
0x6a: {  	_ =	shalt  }
0x6b: {  	_ =	shalt  }
0x6c: {  	_ =	shalt  }
0x6d: {  	_ =	shalt  }
0x6e: {  	_ =	shalt  }
0x6f: {  	_ =	shalt  }
0x70: {  	_ =	shalt  }
0x71: {  	_ =	shalt  }
0x72: {  	_ =	shalt  }
0x73: {  	_ =	shalt  }
0x74: {  	_ =	shalt  }
0x75: {  	_ =	shalt  }
0x76: {  	_ =	shalt  }
0x77: {  	_ =	shalt  }
0x78: {  	_ =	shalt  }
0x79: {  	_ =	shalt  }
0x7a: {  	_ =	shalt  }
0x7b: {  	_ =	shalt  }
0x7c: {  	_ =	shalt  }
0x7d: {  	_ =	shalt  }
0x7e: {  	_ =	shalt  }
0x7f: {  	_ =	shalt  }
0x80: {  	_ =	shalt  }
0x81: {  	_ =	shalt  }
0x82: {  	_ =	shalt  }
0x83: {  	_ =	shalt  }
0x84: {  	_ =	shalt  }
0x85: {  	_ =	shalt  }
0x86: {  	_ =	shalt  }
0x87: {  	_ =	shalt  }
.Lfunc_end0:
.L_simem_size_0:
called_computation.1_lowered:
.L_overlay_start_0:
0x88: {  	s2 =	sld [smem:$0x3FD9]  }
0x89: {  	s3 =	sld [smem:$0x3FFE];
	_ =	sdelay $0x1  }
0x8a: {  	s1 =	srdreg.scid  }
0x8b: {  	s0 =	sand.u32 $0x1, s1  }
0x8c: {  	s16 =	sshll.u32 s0, $0xA;
	s2 =	sadd.s32 s3, s2  }
0x8d: {  	s2 =	sadd.s32 s2, s16  }
0x8e: {  	[smem:$0x3FC0] =	sst s2  }
0x8f: {  	_ = 	snop  }
0x90: {  	(tm) =	ssettm $0x1  }
0x91: {  	s17 =	sld [smem:$0x3FFB];
	_ =	sdelay $0x3  }
0x92: {  	_ =	strace s17  }
0x93: {  	s2 =	sld [smem:$0x3FFC];
	_ =	sdelay $0x3  }
0x94: {  	_ =	strace s2  }
0x95: {  	s2 =	sld [smem:$0x3FFD];
	_ =	sdelay $0x3  }
0x96: {  	_ =	strace s2  }
0x97: {  	_ =	strace $0x8FFFFFFF  }
0x98: {  	s18 =	sld [smem:$0x3FDB];
	_ =	sdelay $0x1  }
0x99: {  	s19 =	simm.s32 $_scs_section_size  }
0x9a: {  	s4 =	simm.s32 $_size__tile_overlayer_lowered;
	s5 =	simm.s32 $_tile_overlayer_lowered  }
0x9b: {  	s22 =	simm.s32 $0x1BFF;
	s21 =	sshll.u32 s5, $0x1;
	s2 =	sadd.s32 s19, s18  }
0x9c: {  	s6 =	simm.s32 $0x0;
	s20 =	sshll.u32 s4, $0x1;
	s4 =	sadd.s32 s21, s2  }
0x9d: {  	[timem:s6], [sflag:s22] =	dma.local [hbm:s4], s20  }
0x9e: {  	_ =	swait.ge [sflag:s22], s20  }
0x9f: {  	s3 =	ssub.s32 $0x0, s20;
	[sflag:s22] =	ssyncset.done $0x0  }
0xa0: {  	[sflag:s22] =	ssyncadd.s32 s3;
	_ =	sdelay $0x1  }
0xa1: {  	s23 =	simm.s32 $0x1B8B  }
0xa2: {  	_ =	swait.ge [sflag:s23], $0x1  }
0xa3: {  	[sflag:s23] =	ssyncset.done $0x0  }
0xa4: {  	s25 =	simm.s32 $0x1B8E;
	s24 =	sld [smem:$0x3FFE];
	[sflag:s23] =	ssyncadd.s32 $0xFFFFFFFF  }
0xa5: {  	s26 =	simm.s32 $execute0_lowered;
	[smem:$0x3FD2] =	sst s25  }
0xa6: {  	s4 =	sshll.u32 s26, $0x1;
	_ =	strace $0x80000049;
	[dreg:$0x1] =	wrdreg $0xFFFFFFFF  }
0xa7: {  	s28 =	simm.s32 $_size_execute0_lowered;
	s2 =	sadd.s32 s2, s4;
	[dreg:$0x0] =	wrdreg $0x0  }
0xa8: {  	s4 =	sshll.u32 s28, $0x1;
	[dreg:$0x2] =	wrdreg s2  }
0xa9: {  	[dreg:$0x3] =	wrdreg s4  }
0xaa: {  	[dreg:$0x4] =	wrdreg $0xC0  }
0xab: {  	_ =	task [dreg:s6], $0x5FFFF  }
0xac: {  	[dreg:$0x1] =	wrdreg $0xFFFFFFFF  }
0xad: {  	[dreg:$0x0] =	wrdreg $0x60  }
0xae: {  	[dreg:$0x2] =	wrdreg s24  }
0xaf: {  	[dreg:$0x3] =	wrdreg $0xA8000  }
0xb0: {  	[dreg:$0x4] =	wrdreg $0x9  }
0xb1: {  	_ =	task.clear_ibuf [dreg:s6], $0x5FFFF;
	_ =	strace $0x90000049  }
0xb2: {  	s29 =	simm.s32 $0x9;
	_ =	strace $0x8000004B  }
0xb3: {  	_ =	swait.ge [sflag:s29], $0x1  }
0xb4: {  	[sflag:s29] =	ssyncadd.s32 $0xFFFFFFFF  }
0xb5: {  	_ =	strace $0x9000004B  }
0xb6: {  	_ =	sfence  }
0xb7: {  	s30 =	sld [smem:$0x0];
	_ =	sdelay $0x2  }
0xb8: {  	s31 =	sshll.u32 s1, $0xD;
	s1 =	sshrl.u32 s1, $0x2  }
0xb9: {  	s3 =	sand.u32 $0x4000, s31;
	s1 =	sadd.s32 s1, s30  }
0xba: {  	s0 =	sor.u32 s3, s0;
	s1 =	sshll.u32 s1, $0x11  }
0xbb: {  	s0 =	sor.u32 s1, s0  }
0xbc: {  	s0 =	sadd.s32 $0x8F2B, s0  }
0xbd: {  	[sflag:s0] =	ssyncadd.remote.s32 $0x1  }
0xbe: {  	_ =	sfence.sel $0xFFFF  }
0xbf: {  	[dreg:$0x0] =	wrdreg $0xFFFFFFFF;
	(pc) =	sbr.abs _section_cstart, $3  }
0xc0: {  	[dreg:$0x1] =	wrdreg $0xFFFFFFFF  }
0xc1: {  	_ =	task.clear_ibuf [dreg:s6], $0x2FFFF;
	_ =	strace $0x9FFFFFFF  }
0xc2: {  	(tm) =	ssettm $0x7FFFFFFF  }
0xc3: {  	_ =	shalt  }
tec
execute0_lowered:
.L_overlay_start_1:
0x0: {  	(tag) =	ssettag $0x1  }
0x1: {  	s6 =	rddreg [dreg:$0x0]  }
0x2: {  	s1 =	rddreg [dreg:$0x1]  }
0x3: {  	s0 =	rddreg [dreg:$0x2]  }
0x4: {  	s2 =	simm.s32 $0x0;
	s3 =	srdreg.scid;
	s16 =	simm.s32 $0x2800  }
0x5: {  	s17 =	simm.s32 $0x6800;
	s18 =	simm.s32 $0x1;
	s19 =	simm.s32 $0x2  }
0x6: {  	s20 =	simm.s32 $0x1380;
	s21 =	simm.s32 $0x2700;
	s22 =	simm.s32 $0x2780  }
0x7: {  	[smem:$0x7FF] =	sst s2;
	s4 =	sadd.s32 $0xFC00, s6;
	s7 =	sand.u32 $0x1, s3  }
0x8: {  	s9 =	sadd.s32 $0x69C00, s6;
	s3 =	stileid.u32;
	s8 =	smul.u32 $0x28000, s7  }
0x9: {  	s10 =	sadd.s32 $0x5FC00, s6;
	s5 =	sadd.s32 $0xD400, s6;
	s12 =	smul.u32 $0x50000, s3  }
0xa: {  	_ =	strace $0x8000004A;
	s11 =	ssub.s32 $0x2, s7;
	s14 =	smul.u32 $0x500, s3  }
0xb: {  	p0 =	seq.s32 s7, $0x0;
	s30 =	sshll.u32 s3, $0x6;
	s13 =	sshrl.u32 s11, $0x1  }
0xc: {  	s24 =	smul.u32 $0x2800, s3;
	s15 =	sadd.s32 s8, s6;
	s11 =	ssub.s32 s11, s13  }
0xd: {  	s29 =	sshrl.u32 s12, $0x2;
	s12 =	sadd.s32 $0x5000, s14;
	s6 =	sor.u32 $0x1C03, s30  }
0xe: {  	s13 =	simm.s32 $0x3;
	s31 =	sadd.s32 s29, s1;
	s12 =	smov.u32 @p0 s14  }
0xf: {  	s23 =	sadd.s32 $0x73C00, s15;
	s11 =	smax.u32 s11, $0x1;
	s14 =	simm.s32 $0x1400  }
0x10: {  	s15 =	simm.s32 $0x80;
	s7 =	sadd.s32 s9, s12;
	s8 =	sadd.s32 s10, s12  }
0x11: {  	s12 =	sadd.s32 $0x280, s12;
	s23 =	sadd.s32 s24, s23;
	s24 =	simm.s32 $0x0  }
0x12: {  	s9 =	sadd.s32 s9, s12;
	s10 =	sadd.s32 s10, s12;
	s12 =	sshrl.u32 s31, $0x3  }
.LBB2_1:
0x13: {  	[spmem:s12], [sflag:s6] =	dma.local [hbm:s5], $0x2800  }
0x14: {  	_ =	swait.ge [sflag:s13], $0x2800  }
0x15: {  	[sflag:s13] =	ssyncset.done $0x0  }
0x16: {  	[sflag:s13] =	ssyncadd.s32 $0xFFFFD800  }
0x17: {  	[bflag:$0x0] =	sbarrier.arrive $0xFFFF  }
0x18: {  	[tilespmem:s2], [sflag:$0x3] =	stream.linear.gather [hbm4b:s7+s2], $0x1400, $0x38;
	[tilespmem:$0x1E800] =	vst v63  }
0x19: {  	_ =	swait.ge [sflag:s13], $0x1400  }
0x1a: {  	[sflag:s13] =	ssyncset.done $0x0  }
0x1b: {  	[sflag:s13] =	ssyncadd.s32 $0xFFFFEC00  }
0x1c: {  	[tilespmem:s14], [sflag:$0x3] =	stream.linear.gather [hbm4b:s8+s2], $0x1400, $0x38;
	[tilespmem:$0x1E800] =	vst v63  }
0x1d: {  	_ =	swait.ge [sflag:s13], $0x1400  }
0x1e: {  	[sflag:s13] =	ssyncset.done $0x0  }
0x1f: {  	[sflag:s13] =	ssyncadd.s32 $0xFFFFEC00  }
0x20: {  	[tilespmem:s16], [sflag:$0x1] =	stream.indirect.gather [hbm4b:s4+s15], $0x80, s2, s15, $0xb8;
	[tilespmem:$0x1E800] =	vst v63  }
0x21: {  	s25 =	simm.s32 $0x80  }
0x22: {  	[tilespmem:s17], [sflag:$0x2] =	stream.indirect.gather [hbm4b:s4+s15], $0x80, s25, s15, $0xb8;
	[tilespmem:$0x1E800] =	vst v63  }
0x23: {  	_ =	swait.ge [sflag:s18], $0x4000  }
0x24: {  	[sflag:s18] =	ssyncset.done $0x0  }
0x25: {  	s29 =	simm.s32 $0x1400;
	[sflag:s18] =	ssyncadd.s32 $0xFFFFC000  }
0x26: {  	[spmem:s1] =	stream.indirect.scatter.add.f32 [tilespmem:s16], [sflag:$0x3], $0x80, s29, s15, $0xb8;
	[tilespmem:$0x1E800] =	vst v63  }
0x27: {  	_ =	swait.ge [sflag:s13], $0x4000  }
0x28: {  	[sflag:s13] =	ssyncset.done $0x0  }
0x29: {  	s30 =	simm.s32 $0x100;
	[sflag:s13] =	ssyncadd.s32 $0xFFFFC000  }
0x2a: {  	[tilespmem:s16], [sflag:$0x1] =	stream.indirect.gather [hbm4b:s4+s15], $0x80, s30, s15, $0xb8;
	[tilespmem:$0x1E800] =	vst v63  }
0x2b: {  	_ =	swait.ge [sflag:s19], $0x4000  }
0x2c: {  	[sflag:s19] =	ssyncset.done $0x0  }
0x2d: {  	s31 =	simm.s32 $0x1480;
	[sflag:s19] =	ssyncadd.s32 $0xFFFFC000  }
0x2e: {  	[spmem:s1] =	stream.indirect.scatter.add.f32 [tilespmem:s17], [sflag:$0x3], $0x80, s31, s15, $0xb8;
	[tilespmem:$0x1E800] =	vst v63  }
0x2f: {  	_ =	swait.ge [sflag:s13], $0x4000  }
0x30: {  	s26 =	simm.s32 $0x800;
	s25 =	simm.s32 $0x100;
	[sflag:s13] =	ssyncset.done $0x0  }
.LBB2_2:
0x31: {  	s28 =	sadd.s32 $0x80, s25  }
0x32: {  	[sflag:s13] =	ssyncadd.s32 $0xFFFFC000;
	s29 =	smov.u32 s26;
	s30 =	sadd.s32 $0x400, s26  }
0x33: {  	[tilespmem:s17], [sflag:$0x2] =	stream.indirect.gather [hbm4b:s4+s15], $0x80, s28, s15, $0xb8;
	[tilespmem:$0x1E800] =	vst v63  }
0x34: {  	p0 =	sne.s32 s26, $0x4800;
	_ =	swait.ge [sflag:s18], $0x4000  }
0x35: {  	[sflag:s18] =	ssyncset.done $0x0  }
0x36: {  	s26 =	sadd.s32 $0x1400, s25;
	[sflag:s18] =	ssyncadd.s32 $0xFFFFC000  }
0x37: {  	[spmem:s1] =	stream.indirect.scatter.add.f32 [tilespmem:s16], [sflag:$0x3], $0x80, s26, s15, $0xb8;
	[tilespmem:$0x1E800] =	vst v63  }
0x38: {  	_ =	swait.ge [sflag:s13], $0x4000  }
0x39: {  	[sflag:s13] =	ssyncset.done $0x0  }
0x3a: {  	s26 =	sadd.s32 $0x100, s25;
	[sflag:s13] =	ssyncadd.s32 $0xFFFFC000  }
0x3b: {  	[tilespmem:s16], [sflag:$0x1] =	stream.indirect.gather [hbm4b:s4+s15], $0x80, s26, s15, $0xb8;
	[tilespmem:$0x1E800] =	vst v63  }
0x3c: {  	_ =	swait.ge [sflag:s19], $0x4000  }
.Ltmp0:
0x3d: {  	[sflag:s19] =	ssyncset.done $0x0;
	(pc) =	sbr.rel @p0 .LBB2_2-.Ltmp0, $4  }
0x3e: {  	s25 =	sadd.s32 $0x1480, s25;
	[sflag:s19] =	ssyncadd.s32 $0xFFFFC000  }
0x3f: {  	[spmem:s1] =	stream.indirect.scatter.add.f32 [tilespmem:s17], [sflag:$0x3], $0x80, s25, s15, $0xb8;
	[tilespmem:$0x1E800] =	vst v63  }
0x40: {  	_ =	swait.ge [sflag:s13], $0x4000  }
0x41: {  	s26 =	smov.u32 s30;
	s25 =	sshra.s32 s29, $0x2;
	[sflag:s13] =	ssyncset.done $0x0  }
0x42: {  	s26 =	sadd.s32 $0x80, s25;
	[sflag:s13] =	ssyncadd.s32 $0xFFFFC000  }
0x43: {  	[tilespmem:s17], [sflag:$0x2] =	stream.indirect.gather [hbm4b:s4+s15], $0x80, s26, s15, $0xb8;
	[tilespmem:$0x1E800] =	vst v63  }
0x44: {  	_ =	swait.ge [sflag:s18], $0x4000  }
0x45: {  	[sflag:s18] =	ssyncset.done $0x0  }
0x46: {  	s29 =	sadd.s32 $0x1400, s25;
	[sflag:s18] =	ssyncadd.s32 $0xFFFFC000  }
0x47: {  	[spmem:s1] =	stream.indirect.scatter.add.f32 [tilespmem:s16], [sflag:$0x3], $0x80, s29, s15, $0xb8;
	[tilespmem:$0x1E800] =	vst v63  }
0x48: {  	_ =	swait.ge [sflag:s13], $0x4000  }
0x49: {  	[sflag:s13] =	ssyncset.done $0x0  }
0x4a: {  	s30 =	sadd.s32 $0x100, s25;
	[sflag:s13] =	ssyncadd.s32 $0xFFFFC000  }
0x4b: {  	[tilespmem:s16], [sflag:$0x1] =	stream.indirect.gather [hbm4b:s4+s15], $0x80, s30, s15, $0xb8;
	[tilespmem:$0x1E800] =	vst v63  }
0x4c: {  	_ =	swait.ge [sflag:s19], $0x4000  }
0x4d: {  	[sflag:s19] =	ssyncset.done $0x0  }
0x4e: {  	s31 =	sadd.s32 $0x1480, s25;
	[sflag:s19] =	ssyncadd.s32 $0xFFFFC000  }
0x4f: {  	[spmem:s1] =	stream.indirect.scatter.add.f32 [tilespmem:s17], [sflag:$0x3], $0x80, s31, s15, $0xb8;
	[tilespmem:$0x1E800] =	vst v63  }
0x50: {  	_ =	swait.ge [sflag:s13], $0x4000  }
0x51: {  	[sflag:s13] =	ssyncset.done $0x0  }
0x52: {  	[sflag:s13] =	ssyncadd.s32 $0xFFFFC000  }
0x53: {  	[tilespmem:s17], [sflag:$0x2] =	stream.indirect.gather [hbm4b:s4+s15], $0x80, s20, s15, $0xb8;
	[tilespmem:$0x1E800] =	vst v63  }
0x54: {  	_ =	swait.ge [sflag:s18], $0x4000  }
0x55: {  	[sflag:s18] =	ssyncset.done $0x0  }
0x56: {  	[sflag:s18] =	ssyncadd.s32 $0xFFFFC000  }
0x57: {  	[spmem:s1] =	stream.indirect.scatter.add.f32 [tilespmem:s16], [sflag:$0x3], $0x80, s21, s15, $0xb8;
	[tilespmem:$0x1E800] =	vst v63  }
0x58: {  	_ =	swait.ge [sflag:s13], $0x4000  }
0x59: {  	[sflag:s13] =	ssyncset.done $0x0  }
0x5a: {  	[sflag:s13] =	ssyncadd.s32 $0xFFFFC000  }
0x5b: {  	_ =	swait.ge [sflag:s19], $0x4000  }
0x5c: {  	[sflag:s19] =	ssyncset.done $0x0  }
0x5d: {  	[sflag:s19] =	ssyncadd.s32 $0xFFFFC000  }
0x5e: {  	[spmem:s1] =	stream.indirect.scatter.add.f32 [tilespmem:s17], [sflag:$0x3], $0x80, s22, s15, $0xb8;
	[tilespmem:$0x1E800] =	vst v63  }
0x5f: {  	_ =	swait.ge [sflag:s13], $0x4000  }
0x60: {  	[sflag:s13] =	ssyncset.done $0x0  }
0x61: {  	s26 =	simm.s32 $0x0;
	[sflag:s13] =	ssyncadd.s32 $0xFFFFC000  }
0x62: {  	[tilespmem:s26], [sflag:$0x3] =	stream.linear.gather [hbm4b:s9+s26], $0x1400, $0x38;
	[tilespmem:$0x1E800] =	vst v63  }
0x63: {  	_ =	swait.ge [sflag:s13], $0x1400  }
0x64: {  	[sflag:s13] =	ssyncset.done $0x0  }
0x65: {  	[sflag:s13] =	ssyncadd.s32 $0xFFFFEC00  }
0x66: {  	[tilespmem:s14], [sflag:$0x3] =	stream.linear.gather [hbm4b:s10+s26], $0x1400, $0x38;
	[tilespmem:$0x1E800] =	vst v63  }
0x67: {  	_ =	swait.ge [sflag:s13], $0x1400  }
0x68: {  	[sflag:s13] =	ssyncset.done $0x0  }
0x69: {  	[sflag:s13] =	ssyncadd.s32 $0xFFFFEC00  }
0x6a: {  	[tilespmem:s16], [sflag:$0x1] =	stream.indirect.gather [hbm4b:s4+s15], $0x80, s26, s15, $0xb8;
	[tilespmem:$0x1E800] =	vst v63  }
0x6b: {  	s28 =	simm.s32 $0x80  }
0x6c: {  	[tilespmem:s17], [sflag:$0x2] =	stream.indirect.gather [hbm4b:s4+s15], $0x80, s28, s15, $0xb8;
	[tilespmem:$0x1E800] =	vst v63  }
0x6d: {  	_ =	swait.ge [sflag:s18], $0x4000  }
0x6e: {  	[sflag:s18] =	ssyncset.done $0x0  }
0x6f: {  	s29 =	simm.s32 $0x1400;
	[sflag:s18] =	ssyncadd.s32 $0xFFFFC000  }
0x70: {  	[spmem:s1] =	stream.indirect.scatter.add.f32 [tilespmem:s16], [sflag:$0x3], $0x80, s29, s15, $0xb8;
	[tilespmem:$0x1E800] =	vst v63  }
0x71: {  	_ =	swait.ge [sflag:s13], $0x4000  }
0x72: {  	[sflag:s13] =	ssyncset.done $0x0  }
0x73: {  	s30 =	simm.s32 $0x100;
	[sflag:s13] =	ssyncadd.s32 $0xFFFFC000  }
0x74: {  	[tilespmem:s16], [sflag:$0x1] =	stream.indirect.gather [hbm4b:s4+s15], $0x80, s30, s15, $0xb8;
	[tilespmem:$0x1E800] =	vst v63  }
0x75: {  	_ =	swait.ge [sflag:s19], $0x4000  }
0x76: {  	[sflag:s19] =	ssyncset.done $0x0  }
0x77: {  	s31 =	simm.s32 $0x1480;
	[sflag:s19] =	ssyncadd.s32 $0xFFFFC000  }
0x78: {  	[spmem:s1] =	stream.indirect.scatter.add.f32 [tilespmem:s17], [sflag:$0x3], $0x80, s31, s15, $0xb8;
	[tilespmem:$0x1E800] =	vst v63  }
0x79: {  	_ =	swait.ge [sflag:s13], $0x4000  }
0x7a: {  	s25 =	simm.s32 $0x100;
	s26 =	simm.s32 $0x800;
	[sflag:s13] =	ssyncset.done $0x0  }
.LBB2_4:
0x7b: {  	s28 =	sadd.s32 $0x80, s25  }
0x7c: {  	[sflag:s13] =	ssyncadd.s32 $0xFFFFC000;
	s29 =	smov.u32 s26;
	s30 =	sadd.s32 $0x400, s26  }
0x7d: {  	[tilespmem:s17], [sflag:$0x2] =	stream.indirect.gather [hbm4b:s4+s15], $0x80, s28, s15, $0xb8;
	[tilespmem:$0x1E800] =	vst v63  }
0x7e: {  	p0 =	sne.s32 s26, $0x4800;
	_ =	swait.ge [sflag:s18], $0x4000  }
0x7f: {  	[sflag:s18] =	ssyncset.done $0x0  }
0x80: {  	s26 =	sadd.s32 $0x1400, s25;
	[sflag:s18] =	ssyncadd.s32 $0xFFFFC000  }
0x81: {  	[spmem:s1] =	stream.indirect.scatter.add.f32 [tilespmem:s16], [sflag:$0x3], $0x80, s26, s15, $0xb8;
	[tilespmem:$0x1E800] =	vst v63  }
0x82: {  	_ =	swait.ge [sflag:s13], $0x4000  }
0x83: {  	[sflag:s13] =	ssyncset.done $0x0  }
0x84: {  	s26 =	sadd.s32 $0x100, s25;
	[sflag:s13] =	ssyncadd.s32 $0xFFFFC000  }
0x85: {  	[tilespmem:s16], [sflag:$0x1] =	stream.indirect.gather [hbm4b:s4+s15], $0x80, s26, s15, $0xb8;
	[tilespmem:$0x1E800] =	vst v63  }
0x86: {  	_ =	swait.ge [sflag:s19], $0x4000  }
.Ltmp1:
0x87: {  	[sflag:s19] =	ssyncset.done $0x0;
	(pc) =	sbr.rel @p0 .LBB2_4-.Ltmp1, $4  }
0x88: {  	s25 =	sadd.s32 $0x1480, s25;
	[sflag:s19] =	ssyncadd.s32 $0xFFFFC000  }
0x89: {  	[spmem:s1] =	stream.indirect.scatter.add.f32 [tilespmem:s17], [sflag:$0x3], $0x80, s25, s15, $0xb8;
	[tilespmem:$0x1E800] =	vst v63  }
0x8a: {  	_ =	swait.ge [sflag:s13], $0x4000  }
0x8b: {  	s26 =	smov.u32 s30;
	s25 =	sshra.s32 s29, $0x2;
	[sflag:s13] =	ssyncset.done $0x0  }
0x8c: {  	s26 =	sadd.s32 $0x80, s25;
	[sflag:s13] =	ssyncadd.s32 $0xFFFFC000  }
0x8d: {  	[tilespmem:s17], [sflag:$0x2] =	stream.indirect.gather [hbm4b:s4+s15], $0x80, s26, s15, $0xb8;
	[tilespmem:$0x1E800] =	vst v63  }
0x8e: {  	_ =	swait.ge [sflag:s18], $0x4000  }
0x8f: {  	[sflag:s18] =	ssyncset.done $0x0  }
0x90: {  	s29 =	sadd.s32 $0x1400, s25;
	[sflag:s18] =	ssyncadd.s32 $0xFFFFC000  }
0x91: {  	[spmem:s1] =	stream.indirect.scatter.add.f32 [tilespmem:s16], [sflag:$0x3], $0x80, s29, s15, $0xb8;
	[tilespmem:$0x1E800] =	vst v63  }
0x92: {  	_ =	swait.ge [sflag:s13], $0x4000  }
0x93: {  	[sflag:s13] =	ssyncset.done $0x0  }
0x94: {  	s30 =	sadd.s32 $0x100, s25;
	[sflag:s13] =	ssyncadd.s32 $0xFFFFC000  }
0x95: {  	[tilespmem:s16], [sflag:$0x1] =	stream.indirect.gather [hbm4b:s4+s15], $0x80, s30, s15, $0xb8;
	[tilespmem:$0x1E800] =	vst v63  }
0x96: {  	_ =	swait.ge [sflag:s19], $0x4000  }
0x97: {  	[sflag:s19] =	ssyncset.done $0x0  }
0x98: {  	s31 =	sadd.s32 $0x1480, s25;
	[sflag:s19] =	ssyncadd.s32 $0xFFFFC000  }
0x99: {  	[spmem:s1] =	stream.indirect.scatter.add.f32 [tilespmem:s17], [sflag:$0x3], $0x80, s31, s15, $0xb8;
	[tilespmem:$0x1E800] =	vst v63  }
0x9a: {  	_ =	swait.ge [sflag:s13], $0x4000  }
0x9b: {  	[sflag:s13] =	ssyncset.done $0x0  }
0x9c: {  	[sflag:s13] =	ssyncadd.s32 $0xFFFFC000  }
0x9d: {  	[tilespmem:s17], [sflag:$0x2] =	stream.indirect.gather [hbm4b:s4+s15], $0x80, s20, s15, $0xb8;
	[tilespmem:$0x1E800] =	vst v63  }
0x9e: {  	_ =	swait.ge [sflag:s18], $0x4000  }
0x9f: {  	[sflag:s18] =	ssyncset.done $0x0  }
0xa0: {  	[sflag:s18] =	ssyncadd.s32 $0xFFFFC000  }
0xa1: {  	[spmem:s1] =	stream.indirect.scatter.add.f32 [tilespmem:s16], [sflag:$0x3], $0x80, s21, s15, $0xb8;
	[tilespmem:$0x1E800] =	vst v63  }
0xa2: {  	_ =	swait.ge [sflag:s13], $0x4000  }
0xa3: {  	[sflag:s13] =	ssyncset.done $0x0  }
0xa4: {  	[sflag:s13] =	ssyncadd.s32 $0xFFFFC000  }
0xa5: {  	_ =	swait.ge [sflag:s19], $0x4000  }
0xa6: {  	[sflag:s19] =	ssyncset.done $0x0  }
0xa7: {  	[sflag:s19] =	ssyncadd.s32 $0xFFFFC000  }
0xa8: {  	[spmem:s1] =	stream.indirect.scatter.add.f32 [tilespmem:s17], [sflag:$0x3], $0x80, s22, s15, $0xb8;
	[tilespmem:$0x1E800] =	vst v63  }
0xa9: {  	_ =	swait.ge [sflag:s13], $0x4000  }
0xaa: {  	s24 =	sadd.s32 $0x1, s24;
	[sflag:s13] =	ssyncset.done $0x0  }
0xab: {  	p0 =	sne.s32 s24, s11;
	[sflag:s13] =	ssyncadd.s32 $0xFFFFC000  }
.Ltmp2:
0xac: {  	[bflag:$0x0] =	sbarrier.arrive $0xFFFF;
	(pc) =	sbr.rel @p0 .LBB2_1-.Ltmp2, $4  }
0xad: {  	[hbm:s23], [sflag:s6] =	dma.local [spmem:s12], $0x2800  }
0xae: {  	_ =	swait.ge [sflag:s13], $0x2800  }
0xaf: {  	[sflag:s13] =	ssyncset.done $0x0  }
0xb0: {  	[sflag:s13] =	ssyncadd.s32 $0xFFFFD800  }
0xb1: {  	_ =	sfence.sel $0x180000  }
0xb2: {  	[bflag:$0x0] =	sbarrier.arrive $0xFFFF  }
0xb3: {  	p0 =	sne.s32 s3, $0x0;
	_ =	strace $0x9000004A  }
0xb4: {  	s0 =	sadd.s32 @!p0 $0x100000, s0;
	[bflag:$0x2] =	sbarrier.arrive $0xFFFF  }
0xb5: {  	[sflag:s0] =	ssyncadd.tile.s32 @!p0 $0x1;
	_ =	shalt  }
.Lfunc_end2:
_tile_overlayer_lowered:
.L_overlay_start_2:
0xb6: {  	(tag) =	ssettag $0x2  }
0xb7: {  	s0 =	rddreg [dreg:$0x0];
	s2 =	stileid.u32  }
0xb8: {  	s1 =	rddreg [dreg:$0x1];
	p0 =	sne.s32 s2, $0x0  }
0xb9: {  	s3 =	rddreg [dreg:$0x2];
	[bflag:$0x3] =	sbarrier.arrive $0xFFFF;
	s2 =	simm.s32 @!p0 $0x1C03  }
0xba: {  	[timem:s3], [sflag:s2] =	dma.local @!p0 [hbm:s0], s1  }
0xbb: {  	s0 =	simm.s32 @!p0 $0x3  }
0xbc: {  	_ =	swait.ge @!p0 [sflag:s0], s1  }
0xbd: {  	s1 =	ssub.s32 @!p0 $0x0, s1;
	[sflag:s0] =	ssyncset.done @!p0 $0x0  }
0xbe: {  	[sflag:s0] =	ssyncadd.s32 @!p0 s1  }
0xbf: {  	[bflag:$0x3] =	sbarrier.arrive $0xFFFF  }
0xc0: {  	_ =	shalt  }

// kernel: kernel.14.cloned.1.call-start
scs
__scs_entry_jumppad:
0x0: {  	(pc) =	sbr.rel $0x88, $3  }
0x1: {  	(tag) =	ssettag $0x0;
	lr =	simm.s32 $0x1  }
0x2: {  	[smem:$0x3F99] =	sst lr;
	_ =	strace $0xD0000000  }
0x3: {  	_ = 	snop  }
0x4: {  	_ = 	snop  }
0x5: {  	_ = 	snop  }
0x6: {  	_ = 	snop  }
0x7: {  	_ = 	snop  }
__scs_overlays_trampoline_lowered:
0x8: {  	[smem:$0x3FA8] =	sst s0  }
0x9: {  	[smem:$0x3FA9] =	sst s1  }
0xa: {  	[smem:$0x3FAA] =	sst s2  }
0xb: {  	[smem:$0x3FAB] =	sst s3  }
0xc: {  	[smem:$0x3FAC] =	sst s4  }
0xd: {  	[smem:$0x3FAD] =	sst s5  }
0xe: {  	[smem:$0x3FAE] =	sst s6  }
0xf: {  	[smem:$0x3FAF] =	sst s7  }
0x10: {  	[smem:$0x3FB0] =	sst s8  }
0x11: {  	[smem:$0x3FB1] =	sst s9;
	s0 =	simm.s32 @!p0 $0x0  }
0x12: {  	s1 =	sld [smem:$0x3F97];
	s0 =	simm.s32 @p0 $0x1  }
0x13: {  	[smem:$0x3FB2] =	sst s0;
	s0 =	simm.s32 @!p1 $0x0  }
0x14: {  	s2 =	sld [smem:$0x3F96];
	s0 =	simm.s32 @p1 $0x1  }
0x15: {  	[smem:$0x3FB3] =	sst s0;
	s0 =	simm.s32 @!p2 $0x0  }
0x16: {  	s3 =	sld [smem:$0x3FDB];
	s0 =	simm.s32 @p2 $0x1  }
0x17: {  	s4 =	simm.s32 $0x1BF5;
	[smem:$0x3FB5] =	sst s0  }
0x18: {  	s0 =	sld [smem:$0x3F98];
	_ =	swait.ge [sflag:s4], $0x0  }
0x19: {  	s7 =	sld [smem:$0x3F99]  }
0x1a: {  	s8 =	sadd.s32 $0xFFFFE003, lr  }
0x1b: {  	s9 =	sadd.s32 $0xFFFFFEF7, lr;
	s5 =	simm.s32 $0xFFFFFFFF;
	p2 =	slt.u32 s8, $0xFFFFF086  }
0x1c: {  	p1 =	slt.u32 s9, $0xF7A;
	s5 =	simm.s32 @!p2 $0x0  }
0x1d: {  	s5 =	simm.s32 @p1 $0x1;
	p0 =	seq.s32 s7, s2  }
0x1e: {  	s7 =	smul.u32 @!p0 $0xF7A, s2;
	p2 =	seq.s32 @!p0 s5, $0x0  }
0x1f: {  	s9 =	smul.u32 $0xF7A, s1;
	s8 =	simm.s32 @!p0 $0x1BF5;
	p2 =	por !p2, p0  }
0x20: {  	[sflag:s8] =	ssyncset.s32 @!p0 $0xFFFFF086;
	s6 =	sadd.s32 @!p0 s3, s7;
	s7 =	simm.s32 @!p0 $0x108  }
0x21: {  	s3 =	sadd.s32 s3, s9;
	s6 =	sadd.s32 @!p0 $0x88, s6;
	s7 =	simm.s32 @p2 $0x1082  }
0x22: {  	[simem:s7], [sflag:s8] =	dma.local @!p0 [hbm:s6], $0xF7A  }
0x23: {  	s9 =	sor.u32 $0xD0000000, s2;
	s6 =	simm.s32 $0x108;
	_ =	swait.ge @!p0 [sflag:s8], $0x0  }
0x24: {  	s3 =	sadd.s32 $0x88, s3;
	s6 =	simm.s32 @!p1 $0x1082;
	[sflag:s4] =	ssyncset.s32 $0xFFFFF086  }
0x25: {  	[simem:s6], [sflag:s4] =	dma.local [hbm:s3], $0xF7A  }
0x26: {  	[smem:$0x3F99] =	sst s1;
	(tag) =	ssettag s2;
	_ =	strace s9  }
0x27: {  	s1 =	sld [smem:$0x3FA9]  }
0x28: {  	s2 =	sld [smem:$0x3FAA]  }
0x29: {  	s4 =	sld [smem:$0x3FAC]  }
0x2a: {  	p0 =	seq.s32 s5, $0x0;
	s5 =	sld [smem:$0x3FAD]  }
0x2b: {  	s6 =	sld [smem:$0x3FAE]  }
0x2c: {  	s7 =	sld [smem:$0x3FAF]  }
0x2d: {  	s3 =	simm.s32 $0x108;
	s8 =	sld [smem:$0x3FB0]  }
0x2e: {  	s3 =	simm.s32 @!p0 $0x1082;
	s9 =	sld [smem:$0x3FB1]  }
0x2f: {  	lr =	sadd.s32 s0, s3;
	s0 =	sld [smem:$0x3FA8]  }
0x30: {  	s3 =	sld [smem:$0x3FAB]  }
0x31: {  	[smem:$0x3FB4] =	sst s10  }
0x32: {  	s10 =	sld [smem:$0x3FB2];
	_ =	sdelay $0x3  }
0x33: {  	p0 =	seq.s32 s10, $0x1;
	s10 =	sld [smem:$0x3FB4];
	_ =	sdelay $0x3  }
0x34: {  	[smem:$0x3FB4] =	sst s10  }
0x35: {  	s10 =	sld [smem:$0x3FB3];
	_ =	sdelay $0x3  }
0x36: {  	p1 =	seq.s32 s10, $0x1;
	s10 =	sld [smem:$0x3FB4];
	_ =	sdelay $0x3  }
0x37: {  	[smem:$0x3FB4] =	sst s10  }
0x38: {  	s10 =	sld [smem:$0x3FB5]  }
0x39: {  	_ = 	snop;
	(pc) =	sbr.ind lr, $3  }
0x3a: {  	_ = 	snop  }
0x3b: {  	_ = 	snop  }
0x3c: {  	p2 =	seq.s32 s10, $0x1;
	s10 =	sld [smem:$0x3FB4]  }
0x3d: {  	_ =	shalt  }
0x3e: {  	_ =	shalt  }
0x3f: {  	_ =	shalt  }
0x40: {  	_ =	shalt  }
0x41: {  	_ =	shalt  }
0x42: {  	_ =	shalt  }
0x43: {  	_ =	shalt  }
0x44: {  	_ =	shalt  }
0x45: {  	_ =	shalt  }
0x46: {  	_ =	shalt  }
0x47: {  	_ =	shalt  }
0x48: {  	_ =	shalt  }
0x49: {  	_ =	shalt  }
0x4a: {  	_ =	shalt  }
0x4b: {  	_ =	shalt  }
0x4c: {  	_ =	shalt  }
0x4d: {  	_ =	shalt  }
0x4e: {  	_ =	shalt  }
0x4f: {  	_ =	shalt  }
0x50: {  	_ =	shalt  }
0x51: {  	_ =	shalt  }
0x52: {  	_ =	shalt  }
0x53: {  	_ =	shalt  }
0x54: {  	_ =	shalt  }
0x55: {  	_ =	shalt  }
0x56: {  	_ =	shalt  }
0x57: {  	_ =	shalt  }
0x58: {  	_ =	shalt  }
0x59: {  	_ =	shalt  }
0x5a: {  	_ =	shalt  }
0x5b: {  	_ =	shalt  }
0x5c: {  	_ =	shalt  }
0x5d: {  	_ =	shalt  }
0x5e: {  	_ =	shalt  }
0x5f: {  	_ =	shalt  }
0x60: {  	_ =	shalt  }
0x61: {  	_ =	shalt  }
0x62: {  	_ =	shalt  }
0x63: {  	_ =	shalt  }
0x64: {  	_ =	shalt  }
0x65: {  	_ =	shalt  }
0x66: {  	_ =	shalt  }
0x67: {  	_ =	shalt  }
0x68: {  	_ =	shalt  }
0x69: {  	_ =	shalt  }
0x6a: {  	_ =	shalt  }
0x6b: {  	_ =	shalt  }
0x6c: {  	_ =	shalt  }
0x6d: {  	_ =	shalt  }
0x6e: {  	_ =	shalt  }
0x6f: {  	_ =	shalt  }
0x70: {  	_ =	shalt  }
0x71: {  	_ =	shalt  }
0x72: {  	_ =	shalt  }
0x73: {  	_ =	shalt  }
0x74: {  	_ =	shalt  }
0x75: {  	_ =	shalt  }
0x76: {  	_ =	shalt  }
0x77: {  	_ =	shalt  }
0x78: {  	_ =	shalt  }
0x79: {  	_ =	shalt  }
0x7a: {  	_ =	shalt  }
0x7b: {  	_ =	shalt  }
0x7c: {  	_ =	shalt  }
0x7d: {  	_ =	shalt  }
0x7e: {  	_ =	shalt  }
0x7f: {  	_ =	shalt  }
0x80: {  	_ =	shalt  }
0x81: {  	_ =	shalt  }
0x82: {  	_ =	shalt  }
0x83: {  	_ =	shalt  }
0x84: {  	_ =	shalt  }
0x85: {  	_ =	shalt  }
0x86: {  	_ =	shalt  }
0x87: {  	_ =	shalt  }
.Lfunc_end0:
.L_simem_size_0:
called_computation.2_lowered:
.L_overlay_start_0:
0x88: {  	s2 =	sld [smem:$0x3FD9]  }
0x89: {  	s3 =	sld [smem:$0x3FFE];
	_ =	sdelay $0x1  }
0x8a: {  	s1 =	srdreg.scid  }
0x8b: {  	s0 =	sand.u32 $0x1, s1  }
0x8c: {  	s16 =	sshll.u32 s0, $0xA;
	s2 =	sadd.s32 s3, s2  }
0x8d: {  	s2 =	sadd.s32 s2, s16  }
0x8e: {  	[smem:$0x3FC0] =	sst s2  }
0x8f: {  	_ = 	snop  }
0x90: {  	(tm) =	ssettm $0x1  }
0x91: {  	s17 =	sld [smem:$0x3FFB];
	_ =	sdelay $0x3  }
0x92: {  	_ =	strace s17  }
0x93: {  	s2 =	sld [smem:$0x3FFC];
	_ =	sdelay $0x3  }
0x94: {  	_ =	strace s2  }
0x95: {  	s2 =	sld [smem:$0x3FFD];
	_ =	sdelay $0x3  }
0x96: {  	_ =	strace s2  }
0x97: {  	_ =	strace $0x8FFFFFFF  }
0x98: {  	s18 =	sld [smem:$0x3FDB];
	_ =	sdelay $0x1  }
0x99: {  	s19 =	simm.s32 $_scs_section_size  }
0x9a: {  	s4 =	simm.s32 $_size__tile_overlayer_lowered;
	s5 =	simm.s32 $_tile_overlayer_lowered  }
0x9b: {  	s22 =	simm.s32 $0x1BFF;
	s21 =	sshll.u32 s5, $0x1;
	s2 =	sadd.s32 s19, s18  }
0x9c: {  	s6 =	simm.s32 $0x0;
	s20 =	sshll.u32 s4, $0x1;
	s4 =	sadd.s32 s21, s2  }
0x9d: {  	[timem:s6], [sflag:s22] =	dma.local [hbm:s4], s20  }
0x9e: {  	_ =	swait.ge [sflag:s22], s20  }
0x9f: {  	s3 =	ssub.s32 $0x0, s20;
	[sflag:s22] =	ssyncset.done $0x0  }
0xa0: {  	[sflag:s22] =	ssyncadd.s32 s3;
	_ =	sdelay $0x1  }
0xa1: {  	s23 =	simm.s32 $0x1B8B  }
0xa2: {  	_ =	swait.ge [sflag:s23], $0x1  }
0xa3: {  	[sflag:s23] =	ssyncset.done $0x0  }
0xa4: {  	s25 =	simm.s32 $0x1B8E;
	s24 =	sld [smem:$0x3FFE];
	[sflag:s23] =	ssyncadd.s32 $0xFFFFFFFF  }
0xa5: {  	s26 =	simm.s32 $execute0_lowered;
	[smem:$0x3FD2] =	sst s25  }
0xa6: {  	s4 =	sshll.u32 s26, $0x1;
	_ =	strace $0x8000004C;
	[dreg:$0x1] =	wrdreg $0xFFFFFFFF  }
0xa7: {  	s28 =	simm.s32 $_size_execute0_lowered;
	s2 =	sadd.s32 s2, s4;
	[dreg:$0x0] =	wrdreg $0x0  }
0xa8: {  	s4 =	sshll.u32 s28, $0x1;
	[dreg:$0x2] =	wrdreg s2  }
0xa9: {  	[dreg:$0x3] =	wrdreg s4  }
0xaa: {  	[dreg:$0x4] =	wrdreg $0xC0  }
0xab: {  	_ =	task [dreg:s6], $0x5FFFF  }
0xac: {  	[dreg:$0x1] =	wrdreg $0xFFFFFFFF  }
0xad: {  	[dreg:$0x0] =	wrdreg $0x60  }
0xae: {  	[dreg:$0x2] =	wrdreg s24  }
0xaf: {  	[dreg:$0x3] =	wrdreg $0xA8000  }
0xb0: {  	[dreg:$0x4] =	wrdreg $0x9  }
0xb1: {  	_ =	task.clear_ibuf [dreg:s6], $0x5FFFF;
	_ =	strace $0x9000004C  }
0xb2: {  	s29 =	simm.s32 $0x9;
	_ =	strace $0x8000004E  }
0xb3: {  	_ =	swait.ge [sflag:s29], $0x1  }
0xb4: {  	[sflag:s29] =	ssyncadd.s32 $0xFFFFFFFF  }
0xb5: {  	_ =	strace $0x9000004E  }
0xb6: {  	_ =	sfence  }
0xb7: {  	s30 =	sld [smem:$0x0];
	_ =	sdelay $0x2  }
0xb8: {  	s31 =	sshll.u32 s1, $0xD;
	s1 =	sshrl.u32 s1, $0x2  }
0xb9: {  	s3 =	sand.u32 $0x4000, s31;
	s1 =	sadd.s32 s1, s30  }
0xba: {  	s0 =	sor.u32 s3, s0;
	s1 =	sshll.u32 s1, $0x11  }
0xbb: {  	s0 =	sor.u32 s1, s0  }
0xbc: {  	s0 =	sadd.s32 $0x8F2B, s0  }
0xbd: {  	[sflag:s0] =	ssyncadd.remote.s32 $0x1  }
0xbe: {  	_ =	sfence.sel $0xFFFF  }
0xbf: {  	[dreg:$0x0] =	wrdreg $0xFFFFFFFF;
	(pc) =	sbr.abs _section_cstart, $3  }
0xc0: {  	[dreg:$0x1] =	wrdreg $0xFFFFFFFF  }
0xc1: {  	_ =	task.clear_ibuf [dreg:s6], $0x2FFFF;
	_ =	strace $0x9FFFFFFF  }
0xc2: {  	(tm) =	ssettm $0x7FFFFFFF  }
0xc3: {  	_ =	shalt  }
tec
execute0_lowered:
.L_overlay_start_1:
0x0: {  	(tag) =	ssettag $0x1  }
0x1: {  	s6 =	rddreg [dreg:$0x0]  }
0x2: {  	s1 =	rddreg [dreg:$0x1]  }
0x3: {  	s0 =	rddreg [dreg:$0x2]  }
0x4: {  	s2 =	simm.s32 $0x0;
	s3 =	srdreg.scid;
	s16 =	simm.s32 $0x2800  }
0x5: {  	s17 =	simm.s32 $0x6800;
	s18 =	simm.s32 $0x1;
	s19 =	simm.s32 $0x2  }
0x6: {  	s20 =	simm.s32 $0x1380;
	s21 =	simm.s32 $0x2700;
	s22 =	simm.s32 $0x2780  }
0x7: {  	[smem:$0x7FF] =	sst s2;
	s4 =	sadd.s32 $0xFC00, s6;
	s7 =	sand.u32 $0x1, s3  }
0x8: {  	s9 =	sadd.s32 $0x69C00, s6;
	s3 =	stileid.u32;
	s8 =	smul.u32 $0x28000, s7  }
0x9: {  	s10 =	sadd.s32 $0x5FC00, s6;
	s5 =	sadd.s32 $0xD400, s6;
	s12 =	smul.u32 $0x50000, s3  }
0xa: {  	_ =	strace $0x8000004D;
	s11 =	ssub.s32 $0x2, s7;
	s14 =	smul.u32 $0x500, s3  }
0xb: {  	p0 =	seq.s32 s7, $0x0;
	s30 =	sshll.u32 s3, $0x6;
	s13 =	sshrl.u32 s11, $0x1  }
0xc: {  	s24 =	smul.u32 $0x2800, s3;
	s15 =	sadd.s32 s8, s6;
	s11 =	ssub.s32 s11, s13  }
0xd: {  	s29 =	sshrl.u32 s12, $0x2;
	s12 =	sadd.s32 $0x5000, s14;
	s6 =	sor.u32 $0x1C03, s30  }
0xe: {  	s13 =	simm.s32 $0x3;
	s31 =	sadd.s32 s29, s1;
	s12 =	smov.u32 @p0 s14  }
0xf: {  	s23 =	sadd.s32 $0x73C00, s15;
	s11 =	smax.u32 s11, $0x1;
	s14 =	simm.s32 $0x1400  }
0x10: {  	s15 =	simm.s32 $0x80;
	s7 =	sadd.s32 s9, s12;
	s8 =	sadd.s32 s10, s12  }
0x11: {  	s12 =	sadd.s32 $0x280, s12;
	s23 =	sadd.s32 s24, s23;
	s24 =	simm.s32 $0x0  }
0x12: {  	s9 =	sadd.s32 s9, s12;
	s10 =	sadd.s32 s10, s12;
	s12 =	sshrl.u32 s31, $0x3  }
.LBB2_1:
0x13: {  	[spmem:s12], [sflag:s6] =	dma.local [hbm:s5], $0x2800  }
0x14: {  	_ =	swait.ge [sflag:s13], $0x2800  }
0x15: {  	[sflag:s13] =	ssyncset.done $0x0  }
0x16: {  	[sflag:s13] =	ssyncadd.s32 $0xFFFFD800  }
0x17: {  	[bflag:$0x0] =	sbarrier.arrive $0xFFFF  }
0x18: {  	[tilespmem:s2], [sflag:$0x3] =	stream.linear.gather [hbm4b:s7+s2], $0x1400, $0x38;
	[tilespmem:$0x1E800] =	vst v63  }
0x19: {  	_ =	swait.ge [sflag:s13], $0x1400  }
0x1a: {  	[sflag:s13] =	ssyncset.done $0x0  }
0x1b: {  	[sflag:s13] =	ssyncadd.s32 $0xFFFFEC00  }
0x1c: {  	[tilespmem:s14], [sflag:$0x3] =	stream.linear.gather [hbm4b:s8+s2], $0x1400, $0x38;
	[tilespmem:$0x1E800] =	vst v63  }
0x1d: {  	_ =	swait.ge [sflag:s13], $0x1400  }
0x1e: {  	[sflag:s13] =	ssyncset.done $0x0  }
0x1f: {  	[sflag:s13] =	ssyncadd.s32 $0xFFFFEC00  }
0x20: {  	[tilespmem:s16], [sflag:$0x1] =	stream.indirect.gather [hbm4b:s4+s15], $0x80, s2, s15, $0xb8;
	[tilespmem:$0x1E800] =	vst v63  }
0x21: {  	s25 =	simm.s32 $0x80  }
0x22: {  	[tilespmem:s17], [sflag:$0x2] =	stream.indirect.gather [hbm4b:s4+s15], $0x80, s25, s15, $0xb8;
	[tilespmem:$0x1E800] =	vst v63  }
0x23: {  	_ =	swait.ge [sflag:s18], $0x4000  }
0x24: {  	[sflag:s18] =	ssyncset.done $0x0  }
0x25: {  	s29 =	simm.s32 $0x1400;
	[sflag:s18] =	ssyncadd.s32 $0xFFFFC000  }
0x26: {  	[spmem:s1] =	stream.indirect.scatter.add.f32 [tilespmem:s16], [sflag:$0x3], $0x80, s29, s15, $0xb8;
	[tilespmem:$0x1E800] =	vst v63  }
0x27: {  	_ =	swait.ge [sflag:s13], $0x4000  }
0x28: {  	[sflag:s13] =	ssyncset.done $0x0  }
0x29: {  	s30 =	simm.s32 $0x100;
	[sflag:s13] =	ssyncadd.s32 $0xFFFFC000  }
0x2a: {  	[tilespmem:s16], [sflag:$0x1] =	stream.indirect.gather [hbm4b:s4+s15], $0x80, s30, s15, $0xb8;
	[tilespmem:$0x1E800] =	vst v63  }
0x2b: {  	_ =	swait.ge [sflag:s19], $0x4000  }
0x2c: {  	[sflag:s19] =	ssyncset.done $0x0  }
0x2d: {  	s31 =	simm.s32 $0x1480;
	[sflag:s19] =	ssyncadd.s32 $0xFFFFC000  }
0x2e: {  	[spmem:s1] =	stream.indirect.scatter.add.f32 [tilespmem:s17], [sflag:$0x3], $0x80, s31, s15, $0xb8;
	[tilespmem:$0x1E800] =	vst v63  }
0x2f: {  	_ =	swait.ge [sflag:s13], $0x4000  }
0x30: {  	s26 =	simm.s32 $0x800;
	s25 =	simm.s32 $0x100;
	[sflag:s13] =	ssyncset.done $0x0  }
.LBB2_2:
0x31: {  	s28 =	sadd.s32 $0x80, s25  }
0x32: {  	[sflag:s13] =	ssyncadd.s32 $0xFFFFC000;
	s29 =	smov.u32 s26;
	s30 =	sadd.s32 $0x400, s26  }
0x33: {  	[tilespmem:s17], [sflag:$0x2] =	stream.indirect.gather [hbm4b:s4+s15], $0x80, s28, s15, $0xb8;
	[tilespmem:$0x1E800] =	vst v63  }
0x34: {  	p0 =	sne.s32 s26, $0x4800;
	_ =	swait.ge [sflag:s18], $0x4000  }
0x35: {  	[sflag:s18] =	ssyncset.done $0x0  }
0x36: {  	s26 =	sadd.s32 $0x1400, s25;
	[sflag:s18] =	ssyncadd.s32 $0xFFFFC000  }
0x37: {  	[spmem:s1] =	stream.indirect.scatter.add.f32 [tilespmem:s16], [sflag:$0x3], $0x80, s26, s15, $0xb8;
	[tilespmem:$0x1E800] =	vst v63  }
0x38: {  	_ =	swait.ge [sflag:s13], $0x4000  }
0x39: {  	[sflag:s13] =	ssyncset.done $0x0  }
0x3a: {  	s26 =	sadd.s32 $0x100, s25;
	[sflag:s13] =	ssyncadd.s32 $0xFFFFC000  }
0x3b: {  	[tilespmem:s16], [sflag:$0x1] =	stream.indirect.gather [hbm4b:s4+s15], $0x80, s26, s15, $0xb8;
	[tilespmem:$0x1E800] =	vst v63  }
0x3c: {  	_ =	swait.ge [sflag:s19], $0x4000  }
.Ltmp0:
0x3d: {  	[sflag:s19] =	ssyncset.done $0x0;
	(pc) =	sbr.rel @p0 .LBB2_2-.Ltmp0, $4  }
0x3e: {  	s25 =	sadd.s32 $0x1480, s25;
	[sflag:s19] =	ssyncadd.s32 $0xFFFFC000  }
0x3f: {  	[spmem:s1] =	stream.indirect.scatter.add.f32 [tilespmem:s17], [sflag:$0x3], $0x80, s25, s15, $0xb8;
	[tilespmem:$0x1E800] =	vst v63  }
0x40: {  	_ =	swait.ge [sflag:s13], $0x4000  }
0x41: {  	s26 =	smov.u32 s30;
	s25 =	sshra.s32 s29, $0x2;
	[sflag:s13] =	ssyncset.done $0x0  }
0x42: {  	s26 =	sadd.s32 $0x80, s25;
	[sflag:s13] =	ssyncadd.s32 $0xFFFFC000  }
0x43: {  	[tilespmem:s17], [sflag:$0x2] =	stream.indirect.gather [hbm4b:s4+s15], $0x80, s26, s15, $0xb8;
	[tilespmem:$0x1E800] =	vst v63  }
0x44: {  	_ =	swait.ge [sflag:s18], $0x4000  }
0x45: {  	[sflag:s18] =	ssyncset.done $0x0  }
0x46: {  	s29 =	sadd.s32 $0x1400, s25;
	[sflag:s18] =	ssyncadd.s32 $0xFFFFC000  }
0x47: {  	[spmem:s1] =	stream.indirect.scatter.add.f32 [tilespmem:s16], [sflag:$0x3], $0x80, s29, s15, $0xb8;
	[tilespmem:$0x1E800] =	vst v63  }
0x48: {  	_ =	swait.ge [sflag:s13], $0x4000  }
0x49: {  	[sflag:s13] =	ssyncset.done $0x0  }
0x4a: {  	s30 =	sadd.s32 $0x100, s25;
	[sflag:s13] =	ssyncadd.s32 $0xFFFFC000  }
0x4b: {  	[tilespmem:s16], [sflag:$0x1] =	stream.indirect.gather [hbm4b:s4+s15], $0x80, s30, s15, $0xb8;
	[tilespmem:$0x1E800] =	vst v63  }
0x4c: {  	_ =	swait.ge [sflag:s19], $0x4000  }
0x4d: {  	[sflag:s19] =	ssyncset.done $0x0  }
0x4e: {  	s31 =	sadd.s32 $0x1480, s25;
	[sflag:s19] =	ssyncadd.s32 $0xFFFFC000  }
0x4f: {  	[spmem:s1] =	stream.indirect.scatter.add.f32 [tilespmem:s17], [sflag:$0x3], $0x80, s31, s15, $0xb8;
	[tilespmem:$0x1E800] =	vst v63  }
0x50: {  	_ =	swait.ge [sflag:s13], $0x4000  }
0x51: {  	[sflag:s13] =	ssyncset.done $0x0  }
0x52: {  	[sflag:s13] =	ssyncadd.s32 $0xFFFFC000  }
0x53: {  	[tilespmem:s17], [sflag:$0x2] =	stream.indirect.gather [hbm4b:s4+s15], $0x80, s20, s15, $0xb8;
	[tilespmem:$0x1E800] =	vst v63  }
0x54: {  	_ =	swait.ge [sflag:s18], $0x4000  }
0x55: {  	[sflag:s18] =	ssyncset.done $0x0  }
0x56: {  	[sflag:s18] =	ssyncadd.s32 $0xFFFFC000  }
0x57: {  	[spmem:s1] =	stream.indirect.scatter.add.f32 [tilespmem:s16], [sflag:$0x3], $0x80, s21, s15, $0xb8;
	[tilespmem:$0x1E800] =	vst v63  }
0x58: {  	_ =	swait.ge [sflag:s13], $0x4000  }
0x59: {  	[sflag:s13] =	ssyncset.done $0x0  }
0x5a: {  	[sflag:s13] =	ssyncadd.s32 $0xFFFFC000  }
0x5b: {  	_ =	swait.ge [sflag:s19], $0x4000  }
0x5c: {  	[sflag:s19] =	ssyncset.done $0x0  }
0x5d: {  	[sflag:s19] =	ssyncadd.s32 $0xFFFFC000  }
0x5e: {  	[spmem:s1] =	stream.indirect.scatter.add.f32 [tilespmem:s17], [sflag:$0x3], $0x80, s22, s15, $0xb8;
	[tilespmem:$0x1E800] =	vst v63  }
0x5f: {  	_ =	swait.ge [sflag:s13], $0x4000  }
0x60: {  	[sflag:s13] =	ssyncset.done $0x0  }
0x61: {  	s26 =	simm.s32 $0x0;
	[sflag:s13] =	ssyncadd.s32 $0xFFFFC000  }
0x62: {  	[tilespmem:s26], [sflag:$0x3] =	stream.linear.gather [hbm4b:s9+s26], $0x1400, $0x38;
	[tilespmem:$0x1E800] =	vst v63  }
0x63: {  	_ =	swait.ge [sflag:s13], $0x1400  }
0x64: {  	[sflag:s13] =	ssyncset.done $0x0  }
0x65: {  	[sflag:s13] =	ssyncadd.s32 $0xFFFFEC00  }
0x66: {  	[tilespmem:s14], [sflag:$0x3] =	stream.linear.gather [hbm4b:s10+s26], $0x1400, $0x38;
	[tilespmem:$0x1E800] =	vst v63  }
0x67: {  	_ =	swait.ge [sflag:s13], $0x1400  }
0x68: {  	[sflag:s13] =	ssyncset.done $0x0  }
0x69: {  	[sflag:s13] =	ssyncadd.s32 $0xFFFFEC00  }
0x6a: {  	[tilespmem:s16], [sflag:$0x1] =	stream.indirect.gather [hbm4b:s4+s15], $0x80, s26, s15, $0xb8;
	[tilespmem:$0x1E800] =	vst v63  }
0x6b: {  	s28 =	simm.s32 $0x80  }
0x6c: {  	[tilespmem:s17], [sflag:$0x2] =	stream.indirect.gather [hbm4b:s4+s15], $0x80, s28, s15, $0xb8;
	[tilespmem:$0x1E800] =	vst v63  }
0x6d: {  	_ =	swait.ge [sflag:s18], $0x4000  }
0x6e: {  	[sflag:s18] =	ssyncset.done $0x0  }
0x6f: {  	s29 =	simm.s32 $0x1400;
	[sflag:s18] =	ssyncadd.s32 $0xFFFFC000  }
0x70: {  	[spmem:s1] =	stream.indirect.scatter.add.f32 [tilespmem:s16], [sflag:$0x3], $0x80, s29, s15, $0xb8;
	[tilespmem:$0x1E800] =	vst v63  }
0x71: {  	_ =	swait.ge [sflag:s13], $0x4000  }
0x72: {  	[sflag:s13] =	ssyncset.done $0x0  }
0x73: {  	s30 =	simm.s32 $0x100;
	[sflag:s13] =	ssyncadd.s32 $0xFFFFC000  }
0x74: {  	[tilespmem:s16], [sflag:$0x1] =	stream.indirect.gather [hbm4b:s4+s15], $0x80, s30, s15, $0xb8;
	[tilespmem:$0x1E800] =	vst v63  }
0x75: {  	_ =	swait.ge [sflag:s19], $0x4000  }
0x76: {  	[sflag:s19] =	ssyncset.done $0x0  }
0x77: {  	s31 =	simm.s32 $0x1480;
	[sflag:s19] =	ssyncadd.s32 $0xFFFFC000  }
0x78: {  	[spmem:s1] =	stream.indirect.scatter.add.f32 [tilespmem:s17], [sflag:$0x3], $0x80, s31, s15, $0xb8;
	[tilespmem:$0x1E800] =	vst v63  }
0x79: {  	_ =	swait.ge [sflag:s13], $0x4000  }
0x7a: {  	s25 =	simm.s32 $0x100;
	s26 =	simm.s32 $0x800;
	[sflag:s13] =	ssyncset.done $0x0  }
.LBB2_4:
0x7b: {  	s28 =	sadd.s32 $0x80, s25  }
0x7c: {  	[sflag:s13] =	ssyncadd.s32 $0xFFFFC000;
	s29 =	smov.u32 s26;
	s30 =	sadd.s32 $0x400, s26  }
0x7d: {  	[tilespmem:s17], [sflag:$0x2] =	stream.indirect.gather [hbm4b:s4+s15], $0x80, s28, s15, $0xb8;
	[tilespmem:$0x1E800] =	vst v63  }
0x7e: {  	p0 =	sne.s32 s26, $0x4800;
	_ =	swait.ge [sflag:s18], $0x4000  }
0x7f: {  	[sflag:s18] =	ssyncset.done $0x0  }
0x80: {  	s26 =	sadd.s32 $0x1400, s25;
	[sflag:s18] =	ssyncadd.s32 $0xFFFFC000  }
0x81: {  	[spmem:s1] =	stream.indirect.scatter.add.f32 [tilespmem:s16], [sflag:$0x3], $0x80, s26, s15, $0xb8;
	[tilespmem:$0x1E800] =	vst v63  }
0x82: {  	_ =	swait.ge [sflag:s13], $0x4000  }
0x83: {  	[sflag:s13] =	ssyncset.done $0x0  }
0x84: {  	s26 =	sadd.s32 $0x100, s25;
	[sflag:s13] =	ssyncadd.s32 $0xFFFFC000  }
0x85: {  	[tilespmem:s16], [sflag:$0x1] =	stream.indirect.gather [hbm4b:s4+s15], $0x80, s26, s15, $0xb8;
	[tilespmem:$0x1E800] =	vst v63  }
0x86: {  	_ =	swait.ge [sflag:s19], $0x4000  }
.Ltmp1:
0x87: {  	[sflag:s19] =	ssyncset.done $0x0;
	(pc) =	sbr.rel @p0 .LBB2_4-.Ltmp1, $4  }
0x88: {  	s25 =	sadd.s32 $0x1480, s25;
	[sflag:s19] =	ssyncadd.s32 $0xFFFFC000  }
0x89: {  	[spmem:s1] =	stream.indirect.scatter.add.f32 [tilespmem:s17], [sflag:$0x3], $0x80, s25, s15, $0xb8;
	[tilespmem:$0x1E800] =	vst v63  }
0x8a: {  	_ =	swait.ge [sflag:s13], $0x4000  }
0x8b: {  	s26 =	smov.u32 s30;
	s25 =	sshra.s32 s29, $0x2;
	[sflag:s13] =	ssyncset.done $0x0  }
0x8c: {  	s26 =	sadd.s32 $0x80, s25;
	[sflag:s13] =	ssyncadd.s32 $0xFFFFC000  }
0x8d: {  	[tilespmem:s17], [sflag:$0x2] =	stream.indirect.gather [hbm4b:s4+s15], $0x80, s26, s15, $0xb8;
	[tilespmem:$0x1E800] =	vst v63  }
0x8e: {  	_ =	swait.ge [sflag:s18], $0x4000  }
0x8f: {  	[sflag:s18] =	ssyncset.done $0x0  }
0x90: {  	s29 =	sadd.s32 $0x1400, s25;
	[sflag:s18] =	ssyncadd.s32 $0xFFFFC000  }
0x91: {  	[spmem:s1] =	stream.indirect.scatter.add.f32 [tilespmem:s16], [sflag:$0x3], $0x80, s29, s15, $0xb8;
	[tilespmem:$0x1E800] =	vst v63  }
0x92: {  	_ =	swait.ge [sflag:s13], $0x4000  }
0x93: {  	[sflag:s13] =	ssyncset.done $0x0  }
0x94: {  	s30 =	sadd.s32 $0x100, s25;
	[sflag:s13] =	ssyncadd.s32 $0xFFFFC000  }
0x95: {  	[tilespmem:s16], [sflag:$0x1] =	stream.indirect.gather [hbm4b:s4+s15], $0x80, s30, s15, $0xb8;
	[tilespmem:$0x1E800] =	vst v63  }
0x96: {  	_ =	swait.ge [sflag:s19], $0x4000  }
0x97: {  	[sflag:s19] =	ssyncset.done $0x0  }
0x98: {  	s31 =	sadd.s32 $0x1480, s25;
	[sflag:s19] =	ssyncadd.s32 $0xFFFFC000  }
0x99: {  	[spmem:s1] =	stream.indirect.scatter.add.f32 [tilespmem:s17], [sflag:$0x3], $0x80, s31, s15, $0xb8;
	[tilespmem:$0x1E800] =	vst v63  }
0x9a: {  	_ =	swait.ge [sflag:s13], $0x4000  }
0x9b: {  	[sflag:s13] =	ssyncset.done $0x0  }
0x9c: {  	[sflag:s13] =	ssyncadd.s32 $0xFFFFC000  }
0x9d: {  	[tilespmem:s17], [sflag:$0x2] =	stream.indirect.gather [hbm4b:s4+s15], $0x80, s20, s15, $0xb8;
	[tilespmem:$0x1E800] =	vst v63  }
0x9e: {  	_ =	swait.ge [sflag:s18], $0x4000  }
0x9f: {  	[sflag:s18] =	ssyncset.done $0x0  }
0xa0: {  	[sflag:s18] =	ssyncadd.s32 $0xFFFFC000  }
0xa1: {  	[spmem:s1] =	stream.indirect.scatter.add.f32 [tilespmem:s16], [sflag:$0x3], $0x80, s21, s15, $0xb8;
	[tilespmem:$0x1E800] =	vst v63  }
0xa2: {  	_ =	swait.ge [sflag:s13], $0x4000  }
0xa3: {  	[sflag:s13] =	ssyncset.done $0x0  }
0xa4: {  	[sflag:s13] =	ssyncadd.s32 $0xFFFFC000  }
0xa5: {  	_ =	swait.ge [sflag:s19], $0x4000  }
0xa6: {  	[sflag:s19] =	ssyncset.done $0x0  }
0xa7: {  	[sflag:s19] =	ssyncadd.s32 $0xFFFFC000  }
0xa8: {  	[spmem:s1] =	stream.indirect.scatter.add.f32 [tilespmem:s17], [sflag:$0x3], $0x80, s22, s15, $0xb8;
	[tilespmem:$0x1E800] =	vst v63  }
0xa9: {  	_ =	swait.ge [sflag:s13], $0x4000  }
0xaa: {  	s24 =	sadd.s32 $0x1, s24;
	[sflag:s13] =	ssyncset.done $0x0  }
0xab: {  	p0 =	sne.s32 s24, s11;
	[sflag:s13] =	ssyncadd.s32 $0xFFFFC000  }
.Ltmp2:
0xac: {  	[bflag:$0x0] =	sbarrier.arrive $0xFFFF;
	(pc) =	sbr.rel @p0 .LBB2_1-.Ltmp2, $4  }
0xad: {  	[hbm:s23], [sflag:s6] =	dma.local [spmem:s12], $0x2800  }
0xae: {  	_ =	swait.ge [sflag:s13], $0x2800  }
0xaf: {  	[sflag:s13] =	ssyncset.done $0x0  }
0xb0: {  	[sflag:s13] =	ssyncadd.s32 $0xFFFFD800  }
0xb1: {  	_ =	sfence.sel $0x180000  }
0xb2: {  	[bflag:$0x0] =	sbarrier.arrive $0xFFFF  }
0xb3: {  	p0 =	sne.s32 s3, $0x0;
	_ =	strace $0x9000004D  }
0xb4: {  	s0 =	sadd.s32 @!p0 $0x100000, s0;
	[bflag:$0x2] =	sbarrier.arrive $0xFFFF  }
0xb5: {  	[sflag:s0] =	ssyncadd.tile.s32 @!p0 $0x1;
	_ =	shalt  }
.Lfunc_end2:
_tile_overlayer_lowered:
.L_overlay_start_2:
0xb6: {  	(tag) =	ssettag $0x2  }
0xb7: {  	s0 =	rddreg [dreg:$0x0];
	s2 =	stileid.u32  }
0xb8: {  	s1 =	rddreg [dreg:$0x1];
	p0 =	sne.s32 s2, $0x0  }
0xb9: {  	s3 =	rddreg [dreg:$0x2];
	[bflag:$0x3] =	sbarrier.arrive $0xFFFF;
	s2 =	simm.s32 @!p0 $0x1C03  }
0xba: {  	[timem:s3], [sflag:s2] =	dma.local @!p0 [hbm:s0], s1  }
0xbb: {  	s0 =	simm.s32 @!p0 $0x3  }
0xbc: {  	_ =	swait.ge @!p0 [sflag:s0], s1  }
0xbd: {  	s1 =	ssub.s32 @!p0 $0x0, s1;
	[sflag:s0] =	ssyncset.done @!p0 $0x0  }
0xbe: {  	[sflag:s0] =	ssyncadd.s32 @!p0 s1  }
0xbf: {  	[bflag:$0x3] =	sbarrier.arrive $0xFFFF  }
0xc0: {  	_ =	shalt  }

// kernel: kernel.8.cloned.1.call-start
scs
__scs_entry_jumppad:
0x0: {  	(pc) =	sbr.rel $0x88, $3  }
0x1: {  	(tag) =	ssettag $0x0;
	lr =	simm.s32 $0x1  }
0x2: {  	[smem:$0x3F99] =	sst lr;
	_ =	strace $0xD0000000  }
0x3: {  	_ = 	snop  }
0x4: {  	_ = 	snop  }
0x5: {  	_ = 	snop  }
0x6: {  	_ = 	snop  }
0x7: {  	_ = 	snop  }
__scs_overlays_trampoline_lowered:
0x8: {  	[smem:$0x3FA8] =	sst s0  }
0x9: {  	[smem:$0x3FA9] =	sst s1  }
0xa: {  	[smem:$0x3FAA] =	sst s2  }
0xb: {  	[smem:$0x3FAB] =	sst s3  }
0xc: {  	[smem:$0x3FAC] =	sst s4  }
0xd: {  	[smem:$0x3FAD] =	sst s5  }
0xe: {  	[smem:$0x3FAE] =	sst s6  }
0xf: {  	[smem:$0x3FAF] =	sst s7  }
0x10: {  	[smem:$0x3FB0] =	sst s8  }
0x11: {  	[smem:$0x3FB1] =	sst s9;
	s0 =	simm.s32 @!p0 $0x0  }
0x12: {  	s1 =	sld [smem:$0x3F97];
	s0 =	simm.s32 @p0 $0x1  }
0x13: {  	[smem:$0x3FB2] =	sst s0;
	s0 =	simm.s32 @!p1 $0x0  }
0x14: {  	s2 =	sld [smem:$0x3F96];
	s0 =	simm.s32 @p1 $0x1  }
0x15: {  	[smem:$0x3FB3] =	sst s0;
	s0 =	simm.s32 @!p2 $0x0  }
0x16: {  	s3 =	sld [smem:$0x3FDB];
	s0 =	simm.s32 @p2 $0x1  }
0x17: {  	s4 =	simm.s32 $0x1BF5;
	[smem:$0x3FB5] =	sst s0  }
0x18: {  	s0 =	sld [smem:$0x3F98];
	_ =	swait.ge [sflag:s4], $0x0  }
0x19: {  	s7 =	sld [smem:$0x3F99]  }
0x1a: {  	s8 =	sadd.s32 $0xFFFFE003, lr  }
0x1b: {  	s9 =	sadd.s32 $0xFFFFFEF7, lr;
	s5 =	simm.s32 $0xFFFFFFFF;
	p2 =	slt.u32 s8, $0xFFFFF086  }
0x1c: {  	p1 =	slt.u32 s9, $0xF7A;
	s5 =	simm.s32 @!p2 $0x0  }
0x1d: {  	s5 =	simm.s32 @p1 $0x1;
	p0 =	seq.s32 s7, s2  }
0x1e: {  	s7 =	smul.u32 @!p0 $0xF7A, s2;
	p2 =	seq.s32 @!p0 s5, $0x0  }
0x1f: {  	s9 =	smul.u32 $0xF7A, s1;
	s8 =	simm.s32 @!p0 $0x1BF5;
	p2 =	por !p2, p0  }
0x20: {  	[sflag:s8] =	ssyncset.s32 @!p0 $0xFFFFF086;
	s6 =	sadd.s32 @!p0 s3, s7;
	s7 =	simm.s32 @!p0 $0x108  }
0x21: {  	s3 =	sadd.s32 s3, s9;
	s6 =	sadd.s32 @!p0 $0x88, s6;
	s7 =	simm.s32 @p2 $0x1082  }
0x22: {  	[simem:s7], [sflag:s8] =	dma.local @!p0 [hbm:s6], $0xF7A  }
0x23: {  	s9 =	sor.u32 $0xD0000000, s2;
	s6 =	simm.s32 $0x108;
	_ =	swait.ge @!p0 [sflag:s8], $0x0  }
0x24: {  	s3 =	sadd.s32 $0x88, s3;
	s6 =	simm.s32 @!p1 $0x1082;
	[sflag:s4] =	ssyncset.s32 $0xFFFFF086  }
0x25: {  	[simem:s6], [sflag:s4] =	dma.local [hbm:s3], $0xF7A  }
0x26: {  	[smem:$0x3F99] =	sst s1;
	(tag) =	ssettag s2;
	_ =	strace s9  }
0x27: {  	s1 =	sld [smem:$0x3FA9]  }
0x28: {  	s2 =	sld [smem:$0x3FAA]  }
0x29: {  	s4 =	sld [smem:$0x3FAC]  }
0x2a: {  	p0 =	seq.s32 s5, $0x0;
	s5 =	sld [smem:$0x3FAD]  }
0x2b: {  	s6 =	sld [smem:$0x3FAE]  }
0x2c: {  	s7 =	sld [smem:$0x3FAF]  }
0x2d: {  	s3 =	simm.s32 $0x108;
	s8 =	sld [smem:$0x3FB0]  }
0x2e: {  	s3 =	simm.s32 @!p0 $0x1082;
	s9 =	sld [smem:$0x3FB1]  }
0x2f: {  	lr =	sadd.s32 s0, s3;
	s0 =	sld [smem:$0x3FA8]  }
0x30: {  	s3 =	sld [smem:$0x3FAB]  }
0x31: {  	[smem:$0x3FB4] =	sst s10  }
0x32: {  	s10 =	sld [smem:$0x3FB2];
	_ =	sdelay $0x3  }
0x33: {  	p0 =	seq.s32 s10, $0x1;
	s10 =	sld [smem:$0x3FB4];
	_ =	sdelay $0x3  }
0x34: {  	[smem:$0x3FB4] =	sst s10  }
0x35: {  	s10 =	sld [smem:$0x3FB3];
	_ =	sdelay $0x3  }
0x36: {  	p1 =	seq.s32 s10, $0x1;
	s10 =	sld [smem:$0x3FB4];
	_ =	sdelay $0x3  }
0x37: {  	[smem:$0x3FB4] =	sst s10  }
0x38: {  	s10 =	sld [smem:$0x3FB5]  }
0x39: {  	_ = 	snop;
	(pc) =	sbr.ind lr, $3  }
0x3a: {  	_ = 	snop  }
0x3b: {  	_ = 	snop  }
0x3c: {  	p2 =	seq.s32 s10, $0x1;
	s10 =	sld [smem:$0x3FB4]  }
0x3d: {  	_ =	shalt  }
0x3e: {  	_ =	shalt  }
0x3f: {  	_ =	shalt  }
0x40: {  	_ =	shalt  }
0x41: {  	_ =	shalt  }
0x42: {  	_ =	shalt  }
0x43: {  	_ =	shalt  }
0x44: {  	_ =	shalt  }
0x45: {  	_ =	shalt  }
0x46: {  	_ =	shalt  }
0x47: {  	_ =	shalt  }
0x48: {  	_ =	shalt  }
0x49: {  	_ =	shalt  }
0x4a: {  	_ =	shalt  }
0x4b: {  	_ =	shalt  }
0x4c: {  	_ =	shalt  }
0x4d: {  	_ =	shalt  }
0x4e: {  	_ =	shalt  }
0x4f: {  	_ =	shalt  }
0x50: {  	_ =	shalt  }
0x51: {  	_ =	shalt  }
0x52: {  	_ =	shalt  }
0x53: {  	_ =	shalt  }
0x54: {  	_ =	shalt  }
0x55: {  	_ =	shalt  }
0x56: {  	_ =	shalt  }
0x57: {  	_ =	shalt  }
0x58: {  	_ =	shalt  }
0x59: {  	_ =	shalt  }
0x5a: {  	_ =	shalt  }
0x5b: {  	_ =	shalt  }
0x5c: {  	_ =	shalt  }
0x5d: {  	_ =	shalt  }
0x5e: {  	_ =	shalt  }
0x5f: {  	_ =	shalt  }
0x60: {  	_ =	shalt  }
0x61: {  	_ =	shalt  }
0x62: {  	_ =	shalt  }
0x63: {  	_ =	shalt  }
0x64: {  	_ =	shalt  }
0x65: {  	_ =	shalt  }
0x66: {  	_ =	shalt  }
0x67: {  	_ =	shalt  }
0x68: {  	_ =	shalt  }
0x69: {  	_ =	shalt  }
0x6a: {  	_ =	shalt  }
0x6b: {  	_ =	shalt  }
0x6c: {  	_ =	shalt  }
0x6d: {  	_ =	shalt  }
0x6e: {  	_ =	shalt  }
0x6f: {  	_ =	shalt  }
0x70: {  	_ =	shalt  }
0x71: {  	_ =	shalt  }
0x72: {  	_ =	shalt  }
0x73: {  	_ =	shalt  }
0x74: {  	_ =	shalt  }
0x75: {  	_ =	shalt  }
0x76: {  	_ =	shalt  }
0x77: {  	_ =	shalt  }
0x78: {  	_ =	shalt  }
0x79: {  	_ =	shalt  }
0x7a: {  	_ =	shalt  }
0x7b: {  	_ =	shalt  }
0x7c: {  	_ =	shalt  }
0x7d: {  	_ =	shalt  }
0x7e: {  	_ =	shalt  }
0x7f: {  	_ =	shalt  }
0x80: {  	_ =	shalt  }
0x81: {  	_ =	shalt  }
0x82: {  	_ =	shalt  }
0x83: {  	_ =	shalt  }
0x84: {  	_ =	shalt  }
0x85: {  	_ =	shalt  }
0x86: {  	_ =	shalt  }
0x87: {  	_ =	shalt  }
.Lfunc_end0:
.L_simem_size_0:
called_computation_lowered:
.L_overlay_start_0:
0x88: {  	s2 =	sld [smem:$0x3FD9]  }
0x89: {  	s3 =	sld [smem:$0x3FFE];
	_ =	sdelay $0x1  }
0x8a: {  	s1 =	srdreg.scid  }
0x8b: {  	s0 =	sand.u32 $0x1, s1  }
0x8c: {  	s17 =	sshll.u32 s0, $0xA;
	s2 =	sadd.s32 s3, s2  }
0x8d: {  	s2 =	sadd.s32 s2, s17  }
0x8e: {  	[smem:$0x3FC0] =	sst s2  }
0x8f: {  	_ = 	snop  }
0x90: {  	s2 =	sld [smem:$0x3FD0];
	(tm) =	ssettm $0x1  }
0x91: {  	s18 =	sld [smem:$0x3FFB];
	_ =	sdelay $0x3  }
0x92: {  	_ =	strace s18  }
0x93: {  	s3 =	sld [smem:$0x3FFC];
	_ =	sdelay $0x3  }
0x94: {  	_ =	strace s3  }
0x95: {  	s3 =	sld [smem:$0x3FFD];
	_ =	sdelay $0x3  }
0x96: {  	_ =	strace s3  }
0x97: {  	_ =	strace $0x8FFFFFFF  }
0x98: {  	s19 =	sld [smem:$0x3FDB];
	_ =	sdelay $0x1  }
0x99: {  	s4 =	simm.s32 $_scs_section_size  }
0x9a: {  	s5 =	simm.s32 $_size__tile_overlayer_lowered;
	s6 =	simm.s32 $_tile_overlayer_lowered  }
0x9b: {  	s22 =	simm.s32 $0x1BFF;
	s21 =	sshll.u32 s6, $0x1;
	s3 =	sadd.s32 s4, s19  }
0x9c: {  	s7 =	simm.s32 $0x0;
	s20 =	sshll.u32 s5, $0x1;
	s5 =	sadd.s32 s21, s3  }
0x9d: {  	[timem:s7], [sflag:s22] =	dma.local [hbm:s5], s20  }
0x9e: {  	_ =	swait.ge [sflag:s22], s20  }
0x9f: {  	s4 =	ssub.s32 $0x0, s20;
	[sflag:s22] =	ssyncset.done $0x0  }
0xa0: {  	[sflag:s22] =	ssyncadd.s32 s4;
	_ =	sdelay $0x1  }
0xa1: {  	s23 =	simm.s32 $0x1B8B  }
0xa2: {  	_ =	swait.ge [sflag:s23], $0x1  }
0xa3: {  	[sflag:s23] =	ssyncset.done $0x0  }
0xa4: {  	s25 =	simm.s32 $0x1B8E;
	s24 =	sld [smem:$0x3FFE];
	[sflag:s23] =	ssyncadd.s32 $0xFFFFFFFF  }
0xa5: {  	s26 =	simm.s32 $execute0_lowered;
	[smem:$0x3FD2] =	sst s25  }
0xa6: {  	s5 =	sshll.u32 s26, $0x1;
	_ =	strace $0x80000046;
	[dreg:$0x1] =	wrdreg $0xFFFFFFFF  }
0xa7: {  	s28 =	simm.s32 $_size_execute0_lowered;
	s3 =	sadd.s32 s3, s5;
	[dreg:$0x0] =	wrdreg $0x0  }
0xa8: {  	s5 =	sshll.u32 s28, $0x1;
	[dreg:$0x2] =	wrdreg s3  }
0xa9: {  	[dreg:$0x3] =	wrdreg s5  }
0xaa: {  	[dreg:$0x4] =	wrdreg $0xC0  }
0xab: {  	_ =	task [dreg:s7], $0x5FFFF  }
0xac: {  	[dreg:$0x1] =	wrdreg $0xFFFFFFFF  }
0xad: {  	[dreg:$0x0] =	wrdreg $0x60  }
0xae: {  	[dreg:$0x2] =	wrdreg s24  }
0xaf: {  	[dreg:$0x3] =	wrdreg s2  }
0xb0: {  	[dreg:$0x4] =	wrdreg $0x68000  }
0xb1: {  	[dreg:$0x5] =	wrdreg $0x9  }
0xb2: {  	_ =	task.clear_ibuf [dreg:s7], $0x6FFFF;
	_ =	strace $0x90000046  }
0xb3: {  	s29 =	simm.s32 $0x9;
	_ =	strace $0x80000048  }
0xb4: {  	_ =	swait.ge [sflag:s29], $0x1  }
0xb5: {  	[sflag:s29] =	ssyncadd.s32 $0xFFFFFFFF  }
0xb6: {  	_ =	strace $0x90000048  }
0xb7: {  	_ =	sfence  }
0xb8: {  	s30 =	sld [smem:$0x0];
	_ =	sdelay $0x2  }
0xb9: {  	s31 =	sshll.u32 s1, $0xD;
	s1 =	sshrl.u32 s1, $0x2  }
0xba: {  	s3 =	sand.u32 $0x4000, s31;
	s1 =	sadd.s32 s1, s30  }
0xbb: {  	s0 =	sor.u32 s3, s0;
	s1 =	sshll.u32 s1, $0x11  }
0xbc: {  	s0 =	sor.u32 s1, s0  }
0xbd: {  	s0 =	sadd.s32 $0x8F2B, s0  }
0xbe: {  	[sflag:s0] =	ssyncadd.remote.s32 $0x1  }
0xbf: {  	_ =	sfence.sel $0xFFFF  }
0xc0: {  	[dreg:$0x0] =	wrdreg $0xFFFFFFFF;
	(pc) =	sbr.abs _section_cstart, $3  }
0xc1: {  	[dreg:$0x1] =	wrdreg $0xFFFFFFFF  }
0xc2: {  	_ =	task.clear_ibuf [dreg:s7], $0x2FFFF;
	_ =	strace $0x9FFFFFFF  }
0xc3: {  	(tm) =	ssettm $0x7FFFFFFF  }
tec
execute0_lowered:
.L_overlay_start_1:
0x0: {  	(tag) =	ssettag $0x1  }
0x1: {  	s6 =	rddreg [dreg:$0x0]  }
0x2: {  	s0 =	srdreg.scid;
	s2 =	rddreg [dreg:$0x1]  }
0x3: {  	s3 =	rddreg [dreg:$0x2];
	s1 =	stileid.u32  }
0x4: {  	s4 =	simm.s32 $0x0;
	s5 =	sand.u32 $0x1, s0;
	s0 =	rddreg [dreg:$0x3]  }
0x5: {  	s12 =	simm.s32 $0x80;
	[smem:$0x7FF] =	sst s4;
	s10 =	smul.u32 $0x50000, s1  }
0x6: {  	s31 =	sshll.u32 s1, $0x6;
	s14 =	smul.u32 $0x2800, s1;
	s7 =	sshll.u32 s5, $0x4  }
0x7: {  	_ =	strace $0x80000047;
	s8 =	smul.u32 $0x28000, s5;
	s9 =	ssub.s32 $0x2, s5  }
0x8: {  	s5 =	sadd.s32 $0xD400, s6;
	s7 =	sor.u32 s1, s7;
	s29 =	sshrl.u32 s9, $0x1  }
0x9: {  	s30 =	sshrl.u32 s10, $0x2;
	s10 =	simm.s32 $0x1;
	s7 =	smul.u32 $0x500, s7  }
0xa: {  	s8 =	sadd.s32 s8, s6;
	s9 =	ssub.s32 s9, s29;
	s11 =	sadd.s32 s30, s3  }
0xb: {  	s13 =	sadd.s32 $0xFC00, s8;
	s8 =	smax.u32 s9, $0x1;
	s9 =	sshrl.u32 s11, $0x3  }
0xc: {  	s11 =	simm.s32 $0x2800;
	s7 =	sadd.s32 s7, s6;
	s6 =	sor.u32 $0x1C01, s31  }
0xd: {  	s13 =	sadd.s32 s14, s13;
	s14 =	simm.s32 $0x0;
	s7 =	sadd.s32 $0x3400, s7  }
.LBB2_1:
0xe: {  	[spmem:s9], [sflag:s6] =	dma.local [hbm:s5], $0x2800  }
0xf: {  	_ =	swait.ge [sflag:s10], $0x2800  }
0x10: {  	[sflag:s10] =	ssyncset.done $0x0  }
0x11: {  	[sflag:s10] =	ssyncadd.s32 $0xFFFFD800  }
0x12: {  	[tilespmem:s4], [sflag:$0x1] =	stream.linear.gather [hbm4b:s7+s4], $0x2800, $0x38;
	[tilespmem:$0x1A800] =	vst v63  }
0x13: {  	_ =	swait.ge [sflag:s10], $0x2800  }
0x14: {  	[sflag:s10] =	ssyncset.done $0x0  }
0x15: {  	[sflag:s10] =	ssyncadd.s32 $0xFFFFD800  }
0x16: {  	[tilespmem:s11], [sflag:$0x1] =	stream.linear.gather [hbm4b:s2+s4], $0x4000, $0x38;
	[tilespmem:$0x1A800] =	vst v63  }
0x17: {  	_ =	swait.ge [sflag:s10], $0x4000  }
0x18: {  	[sflag:s10] =	ssyncset.done $0x0  }
0x19: {  	[sflag:s10] =	ssyncadd.s32 $0xFFFFC000  }
0x1a: {  	s15 =	simm.s32 $0x0;
	[bflag:$0x0] =	sbarrier.arrive $0xFFFF  }
0x1b: {  	[spmem:s3] =	stream.indirect.scatter.add.f32 [tilespmem:s11], [sflag:$0x1], $0x80, s15, s12, $0xb8;
	[tilespmem:$0x1A800] =	vst v63  }
0x1c: {  	_ =	swait.ge [sflag:s10], $0x4000  }
0x1d: {  	s15 =	simm.s32 $0x200;
	[sflag:s10] =	ssyncset.done $0x0  }
.LBB2_2:
0x1e: {  	s16 =	sshra.s32 s15, $0x2;
	[sflag:s10] =	ssyncadd.s32 $0xFFFFC000;
	p0 =	sne.s32 s15, $0x9E00  }
0x1f: {  	[spmem:s3] =	stream.indirect.scatter.add.f32 [tilespmem:s11], [sflag:$0x1], $0x80, s16, s12, $0xb8;
	[tilespmem:$0x1A800] =	vst v63  }
.Ltmp0:
0x20: {  	_ = 	snop;
	(pc) =	sbr.rel @p0 .LBB2_2-.Ltmp0, $4  }
0x21: {  	_ = 	snop  }
0x22: {  	s15 =	sadd.s32 $0x200, s15  }
0x23: {  	_ =	swait.ge [sflag:s10], $0x4000  }
0x24: {  	[sflag:s10] =	ssyncset.done $0x0  }
0x25: {  	s14 =	sadd.s32 $0x1, s14  }
0x26: {  	[sflag:s10] =	ssyncadd.s32 $0xFFFFC000;
	p0 =	sne.s32 s14, s8  }
.Ltmp1:
0x27: {  	[bflag:$0x0] =	sbarrier.arrive $0xFFFF;
	(pc) =	sbr.rel @p0 .LBB2_1-.Ltmp1, $4  }
0x28: {  	[hbm:s13], [sflag:s6] =	dma.local [spmem:s9], $0x2800  }
0x29: {  	_ =	swait.ge [sflag:s10], $0x2800  }
0x2a: {  	[sflag:s10] =	ssyncset.done $0x0  }
0x2b: {  	[sflag:s10] =	ssyncadd.s32 $0xFFFFD800  }
0x2c: {  	_ =	sfence.sel $0x180000  }
0x2d: {  	[bflag:$0x0] =	sbarrier.arrive $0xFFFF  }
0x2e: {  	p0 =	sne.s32 s1, $0x0;
	_ =	strace $0x90000047  }
0x2f: {  	s0 =	sadd.s32 @!p0 $0x100000, s0;
	[bflag:$0x2] =	sbarrier.arrive $0xFFFF  }
0x30: {  	[sflag:s0] =	ssyncadd.tile.s32 @!p0 $0x1;
	_ =	shalt  }
.Lfunc_end2:
_tile_overlayer_lowered:
.L_overlay_start_2:
0x31: {  	(tag) =	ssettag $0x2  }
0x32: {  	s0 =	rddreg [dreg:$0x0];
	s2 =	stileid.u32  }
0x33: {  	s1 =	rddreg [dreg:$0x1];
	p0 =	sne.s32 s2, $0x0  }
0x34: {  	s3 =	rddreg [dreg:$0x2];
	[bflag:$0x3] =	sbarrier.arrive $0xFFFF;
	s2 =	simm.s32 @!p0 $0x1C01  }
0x35: {  	[timem:s3], [sflag:s2] =	dma.local @!p0 [hbm:s0], s1  }
0x36: {  	s0 =	simm.s32 @!p0 $0x1  }
0x37: {  	_ =	swait.ge @!p0 [sflag:s0], s1  }
0x38: {  	s1 =	ssub.s32 @!p0 $0x0, s1;
	[sflag:s0] =	ssyncset.done @!p0 $0x0  }
0x39: {  	[sflag:s0] =	ssyncadd.s32 @!p0 s1  }
0x3a: {  	[bflag:$0x3] =	sbarrier.arrive $0xFFFF  }
0x3b: {  	_ =	shalt  }

</sc_bundles>
